<compile_context>
chip_gen: v7x
topology: tpu7x:2x2x1
jax: 0.10.2.dev20260603
libtpu: 0.0.44.dev20260713+nightly
codegen_flags: <defaults>
</compile_context>

<pallas_src>
import functools

import jax
import jax.numpy as jnp
import numpy as np
from jax import lax
from jax.experimental import pallas as pl
from jax.experimental.pallas import tpu as pltpu
from jax.experimental.pallas import tpu_sc as plsc

_BATCH = 16384
_LATENT = 128
_NFEAT = 8
_NC = 2
_NS = 16
_LANES = 16
_NW = _NC * _NS
_BPW = _BATCH // _NW
_NCH = 4
_RPC = _BPW // _NCH
_AW = _NFEAT * _RPC
_CGROUPS = _RPC // _LANES



_ROT1 = (13, 15, 26, 6)
_ROT2 = (17, 29, 16, 24)


def _tf2x32(k1, k2, x0, x1):
    ks = [np.uint32(k1), np.uint32(k2),
          np.uint32(np.uint32(k1) ^ np.uint32(k2) ^ np.uint32(0x1BD11BDA))]
    x = [(x0 + ks[0]).astype(np.uint32), (x1 + ks[1]).astype(np.uint32)]

    def rounds(x, rots):
        for r in rots:
            a = (x[0] + x[1]).astype(np.uint32)
            b = ((x[1] << np.uint32(r))
                 | (x[1] >> np.uint32(32 - r))).astype(np.uint32)
            x = [a, a ^ b]
        return x

    for i, (rots, ka, kb) in enumerate(
            [(_ROT1, 1, 2), (_ROT2, 2, 0), (_ROT1, 0, 1),
             (_ROT2, 1, 2), (_ROT1, 2, 0)]):
        x = rounds(x, rots)
        x = [(x[0] + ks[ka]).astype(np.uint32),
             (x[1] + ks[kb] + np.uint32(i + 1)).astype(np.uint32)]
    return x


def _np_split(key):
    b1, b2 = _tf2x32(key[0], key[1], np.zeros(2, np.uint32),
                     np.arange(2, dtype=np.uint32))
    return (b1[0], b2[0]), (b1[1], b2[1])


def _np_random_bits(key, n):
    b1, b2 = _tf2x32(key[0], key[1], np.zeros(n, np.uint32),
                     np.arange(n, dtype=np.uint32))
    return b1 ^ b2


def _np_draws():
    root = (np.uint32(0), np.uint32(42))
    kc, kv = _np_split(root)
    n = _NFEAT * _BATCH
    _, kc2 = _np_split(kc)
    cols = (_np_random_bits(kc2, n) % np.uint32(_LATENT)).astype(np.int32)
    bits = _np_random_bits(kv, n)
    fb = (bits >> np.uint32(9)) | np.uint32(0x3F800000)
    f = fb.view(np.float32) - np.float32(1.0)
    unif = np.maximum(np.float32(-1.0), f * np.float32(2.0) + np.float32(-1.0))
    cols_w = cols.reshape(_NFEAT, _NW, _BPW).transpose(1, 0, 2)
    unif_w = unif.reshape(_NFEAT, _NW, _BPW).transpose(1, 0, 2)

    def chunked(a):
        a = a.reshape(_NW, _NFEAT, _NCH, _RPC).transpose(0, 2, 1, 3)
        return np.ascontiguousarray(a.reshape(_NW, -1))

    return chunked(cols_w), chunked(unif_w)


_COLS_W, _UNIF_W = _np_draws()




def _body(z_hbm, idx_hbm, chg_hbm, out_hbm, idxv, chgv, zv, sems, sem_out):
    wid = lax.axis_index("s") * _NC + lax.axis_index("c")
    rbase0 = wid * _BPW
    cps = []
    for c in range(_NCH):
        sem = sems.at[c]
        cp_idx = pltpu.async_copy(idx_hbm.at[wid, pl.ds(c * _AW, _AW)],
                                  idxv.at[pl.ds(c * _AW, _AW)], sem)
        cp_chg = pltpu.async_copy(chg_hbm.at[wid, pl.ds(c * _AW, _AW)],
                                  chgv.at[pl.ds(c * _AW, _AW)], sem)
        cp_z = pltpu.async_copy(z_hbm.at[pl.ds(rbase0 + c * _RPC, _RPC)],
                                zv.at[pl.ds(c * _RPC, _RPC)], sem)
        cps.append((cp_idx, cp_chg, cp_z))
    iota = lax.iota(jnp.int32, _LANES)

    outs = []
    for c in range(_NCH):
        for cp in cps[c]:
            cp.wait()
        aux0 = c * _AW
        row0 = c * _RPC

        def group(g, carry):
            rvec = row0 + g * _LANES + iota
            idxs, vals = [], []
            for j in range(_NFEAT):
                off = aux0 + j * _RPC + g * _LANES
                cvec = idxv[pl.ds(off, _LANES)]
                d = chgv[pl.ds(off, _LANES)]
                zg = plsc.load_gather(zv, [rvec, cvec])
                idxs.append(cvec)
                vals.append(zg + d)
            for j in range(_NFEAT):
                plsc.store_scatter(zv, [rvec, idxs[j]], vals[j])
            return carry

        lax.fori_loop(0, _CGROUPS, group, 0)
        outs.append(pltpu.async_copy(zv.at[pl.ds(c * _RPC, _RPC)],
                                     out_hbm.at[pl.ds(rbase0 + c * _RPC, _RPC)],
                                     sem_out))
    for cp in outs:
        cp.wait()


@functools.partial(
    pl.kernel,
    out_type=jax.ShapeDtypeStruct((_BATCH, _LATENT), jnp.float32),
    mesh=plsc.VectorSubcoreMesh(core_axis_name="c", subcore_axis_name="s",
                                num_cores=_NC, num_subcores=_NS),
    scratch_types=[
        pltpu.VMEM((_NCH * _AW,), jnp.int32),
        pltpu.VMEM((_NCH * _AW,), jnp.float32),
        pltpu.VMEM((_BPW, _LATENT), jnp.float32),
        pltpu.SemaphoreType.DMA((_NCH,)),
        pltpu.SemaphoreType.DMA,
    ],
    compiler_params=pltpu.CompilerParams(needs_layout_passes=False),
)
def _sc_resample(z_hbm, idx_hbm, chg_hbm, out_hbm, idxv, chgv, zv,
                 sems, sem_out):
    _body(z_hbm, idx_hbm, chg_hbm, out_hbm, idxv, chgv, zv, sems, sem_out)


def kernel(z, sigma):
    chg_w = jnp.asarray(_UNIF_W) * sigma
    return _sc_resample(z, jnp.asarray(_COLS_W), chg_w)

# --- scband reference (transcript-rebuilt; emitter-appended) ---
"""Pipeline reference for scband-re-sampling-72688026517511 (READ-ONLY COPY).

The authoritative reference and input builder live on the scoring server;
editing this copy changes nothing except your own understanding.
"""

import jax, jax.numpy as jnp
import numpy as np

BATCH_SIZE = 16384
LATENT_DIM = 128
NUM_FEATURES = 8  # fixed draw from np.random.randint(0, 16) for determinism


def setup_inputs(seed: int = 0) -> dict:
    key = jax.random.key(seed)
    kz, = jax.random.split(key, 1)
    z = jax.random.normal(kz, (BATCH_SIZE, LATENT_DIM), dtype=jnp.float32)
    sigma = jnp.asarray(1.0, dtype=jnp.float32)
    return {"z": z, "sigma": sigma}


def reference(z, sigma):
    batch_size, latent_dim = z.shape
    num_features = NUM_FEATURES
    n_updates = num_features * batch_size
    rkey = jax.random.key(42)
    kc, kv = jax.random.split(rkey)
    # original loops: for j in range(num_features): for i in range(batch_size)
    cols = jax.random.randint(kc, (n_updates,), 0, latent_dim, dtype=jnp.int32)
    rows = jnp.tile(jnp.arange(batch_size, dtype=jnp.int32), num_features)
    changes = jax.random.uniform(kv, (n_updates,), dtype=jnp.float32, minval=-1.0, maxval=1.0) * sigma
    updates = z[rows, cols] + changes
    z_new = z.at[rows, cols].set(updates)
    return z_new

if __name__ == "__main__":
    import jax
    _d = setup_inputs()
    print(jax.jit(kernel)(*tuple(_d.values())))

</pallas_src>

<mosaic_0001>
#map = affine_map<(d0, d1) -> (0, 0)>
module attributes {stable_mosaic.version = 14 : i64} {
  func.func @_sc_resample(%arg0: i32, %arg1: i32, %arg2: memref<16384x128xf32, #tpu.memory_space<hbm>>, %arg3: memref<32x4096xi32, #tpu.memory_space<hbm>>, %arg4: memref<32x4096xf32, #tpu.memory_space<hbm>>, %arg5: memref<16384x128xf32, #tpu.memory_space<hbm>>, %arg6: memref<4096xi32, #tpu.memory_space<vmem>>, %arg7: memref<4096xf32, #tpu.memory_space<vmem>>, %arg8: memref<512x128xf32, #tpu.memory_space<vmem>>, %arg9: memref<4x!tpu.dma_semaphore, #tpu.memory_space<semaphore_mem>>, %arg10: memref<!tpu.dma_semaphore, #tpu.memory_space<semaphore_mem>>) attributes {dimension_semantics = [#tpu.dimension_semantics<core_parallel>, #tpu.dimension_semantics<subcore_parallel>], iteration_bounds = array<i64: 2, 16>, scalar_prefetch = 0 : i64, scratch_operands = 5 : i64, tpu.core_type = #tpu.core_type<sc_vector_subcore>, window_params = [{transform_indices = #map}, {transform_indices = #map}, {transform_indices = #map}, {transform_indices = #map}]} {
    %mul3A = arith.constant 2 : i32
    %mul3A_0 = arith.muli %arg1, %mul3A : i32
    %add3A = arith.addi %mul3A_0, %arg0 : i32
    %mul3A_1 = arith.constant 512 : i32
    %mul3A_2 = arith.muli %add3A, %mul3A_1 : i32
    %dma_start3A = arith.constant 0 : i32
    %dma_start3A_3 = arith.constant 0 : i32
    %dma_start3A_4 = tpu.memref_slice %arg6[%dma_start3A_3] : memref<4096xi32, #tpu.memory_space<vmem>> -> memref<1024xi32, #tpu.memory_space<vmem>>
    %dma_start3A_5 = arith.constant 0 : i32
    %dma_start3A_6 = tpu.memref_slice %arg3[%add3A, %dma_start3A_5] : memref<32x4096xi32, #tpu.memory_space<hbm>> -> memref<1x1024xi32, #tpu.memory_space<hbm>>
    %dma_start3A_7 = tpu.memref_squeeze %dma_start3A_6 : memref<1x1024xi32, #tpu.memory_space<hbm>> -> memref<1024xi32, #tpu.memory_space<hbm>>
    %dma_start3A_8 = tpu.memref_slice %arg9[%dma_start3A] : memref<4x!tpu.dma_semaphore, #tpu.memory_space<semaphore_mem>> -> memref<1x!tpu.dma_semaphore, #tpu.memory_space<semaphore_mem>>
    %dma_start3A_9 = tpu.memref_squeeze %dma_start3A_8 : memref<1x!tpu.dma_semaphore, #tpu.memory_space<semaphore_mem>> -> memref<!tpu.dma_semaphore, #tpu.memory_space<semaphore_mem>>
    %dma_start3A_10 = arith.constant 0 : i32
    %dma_start3A_11 = tpu.memref_slice %arg6[%dma_start3A_10] : memref<4096xi32, #tpu.memory_space<vmem>> -> memref<1024xi32, #tpu.memory_space<vmem>>
    %dma_start3A_12 = arith.constant 0 : i32
    %dma_start3A_13 = tpu.memref_slice %arg3[%add3A, %dma_start3A_12] : memref<32x4096xi32, #tpu.memory_space<hbm>> -> memref<1x1024xi32, #tpu.memory_space<hbm>>
    %dma_start3A_14 = tpu.memref_squeeze %dma_start3A_13 : memref<1x1024xi32, #tpu.memory_space<hbm>> -> memref<1024xi32, #tpu.memory_space<hbm>>
    tpu.enqueue_dma source(%dma_start3A_14 : memref<1024xi32, #tpu.memory_space<hbm>>) target(%dma_start3A_11 : memref<1024xi32, #tpu.memory_space<vmem>>) target_semaphore(%dma_start3A_9 : memref<!tpu.dma_semaphore, #tpu.memory_space<semaphore_mem>>)
    %dma_start3A_15 = arith.constant 0 : i32
    %dma_start3A_16 = arith.constant 0 : i32
    %dma_start3A_17 = tpu.memref_slice %arg7[%dma_start3A_16] : memref<4096xf32, #tpu.memory_space<vmem>> -> memref<1024xf32, #tpu.memory_space<vmem>>
    %dma_start3A_18 = arith.constant 0 : i32
    %dma_start3A_19 = tpu.memref_slice %arg4[%add3A, %dma_start3A_18] : memref<32x4096xf32, #tpu.memory_space<hbm>> -> memref<1x1024xf32, #tpu.memory_space<hbm>>
    %dma_start3A_20 = tpu.memref_squeeze %dma_start3A_19 : memref<1x1024xf32, #tpu.memory_space<hbm>> -> memref<1024xf32, #tpu.memory_space<hbm>>
    %dma_start3A_21 = tpu.memref_slice %arg9[%dma_start3A_15] : memref<4x!tpu.dma_semaphore, #tpu.memory_space<semaphore_mem>> -> memref<1x!tpu.dma_semaphore, #tpu.memory_space<semaphore_mem>>
    %dma_start3A_22 = tpu.memref_squeeze %dma_start3A_21 : memref<1x!tpu.dma_semaphore, #tpu.memory_space<semaphore_mem>> -> memref<!tpu.dma_semaphore, #tpu.memory_space<semaphore_mem>>
    %dma_start3A_23 = arith.constant 0 : i32
    %dma_start3A_24 = tpu.memref_slice %arg7[%dma_start3A_23] : memref<4096xf32, #tpu.memory_space<vmem>> -> memref<1024xf32, #tpu.memory_space<vmem>>
    %dma_start3A_25 = arith.constant 0 : i32
    %dma_start3A_26 = tpu.memref_slice %arg4[%add3A, %dma_start3A_25] : memref<32x4096xf32, #tpu.memory_space<hbm>> -> memref<1x1024xf32, #tpu.memory_space<hbm>>
    %dma_start3A_27 = tpu.memref_squeeze %dma_start3A_26 : memref<1x1024xf32, #tpu.memory_space<hbm>> -> memref<1024xf32, #tpu.memory_space<hbm>>
    tpu.enqueue_dma source(%dma_start3A_27 : memref<1024xf32, #tpu.memory_space<hbm>>) target(%dma_start3A_24 : memref<1024xf32, #tpu.memory_space<vmem>>) target_semaphore(%dma_start3A_22 : memref<!tpu.dma_semaphore, #tpu.memory_space<semaphore_mem>>)
    %add3A_28 = arith.constant 0 : i32
    %add3A_29 = arith.addi %mul3A_2, %add3A_28 : i32
    %dma_start3A_30 = arith.constant 0 : i32
    %dma_start3A_31 = arith.constant 0 : i32
    %dma_start3A_32 = arith.constant 0 : i32
    %dma_start3A_33 = tpu.memref_slice %arg8[%dma_start3A_31, %dma_start3A_32] : memref<512x128xf32, #tpu.memory_space<vmem>> -> memref<128x128xf32, #tpu.memory_space<vmem>>
    %dma_start3A_34 = arith.constant 0 : i32
    %dma_start3A_35 = tpu.memref_slice %arg2[%add3A_29, %dma_start3A_34] : memref<16384x128xf32, #tpu.memory_space<hbm>> -> memref<128x128xf32, #tpu.memory_space<hbm>>
    %dma_start3A_36 = tpu.memref_slice %arg9[%dma_start3A_30] : memref<4x!tpu.dma_semaphore, #tpu.memory_space<semaphore_mem>> -> memref<1x!tpu.dma_semaphore, #tpu.memory_space<semaphore_mem>>
    %dma_start3A_37 = tpu.memref_squeeze %dma_start3A_36 : memref<1x!tpu.dma_semaphore, #tpu.memory_space<semaphore_mem>> -> memref<!tpu.dma_semaphore, #tpu.memory_space<semaphore_mem>>
    %dma_start3A_38 = arith.constant 0 : i32
    %dma_start3A_39 = arith.constant 0 : i32
    %dma_start3A_40 = tpu.memref_slice %arg8[%dma_start3A_38, %dma_start3A_39] : memref<512x128xf32, #tpu.memory_space<vmem>> -> memref<128x128xf32, #tpu.memory_space<vmem>>
    %dma_start3A_41 = arith.constant 0 : i32
    %dma_start3A_42 = tpu.memref_slice %arg2[%add3A_29, %dma_start3A_41] : memref<16384x128xf32, #tpu.memory_space<hbm>> -> memref<128x128xf32, #tpu.memory_space<hbm>>
    tpu.enqueue_dma source(%dma_start3A_42 : memref<128x128xf32, #tpu.memory_space<hbm>>) target(%dma_start3A_40 : memref<128x128xf32, #tpu.memory_space<vmem>>) target_semaphore(%dma_start3A_37 : memref<!tpu.dma_semaphore, #tpu.memory_space<semaphore_mem>>)
    %dma_start3A_43 = arith.constant 1 : i32
    %dma_start3A_44 = arith.constant 1024 : i32
    %dma_start3A_45 = tpu.memref_slice %arg6[%dma_start3A_44] : memref<4096xi32, #tpu.memory_space<vmem>> -> memref<1024xi32, #tpu.memory_space<vmem>>
    %dma_start3A_46 = arith.constant 1024 : i32
    %dma_start3A_47 = tpu.memref_slice %arg3[%add3A, %dma_start3A_46] : memref<32x4096xi32, #tpu.memory_space<hbm>> -> memref<1x1024xi32, #tpu.memory_space<hbm>>
    %dma_start3A_48 = tpu.memref_squeeze %dma_start3A_47 : memref<1x1024xi32, #tpu.memory_space<hbm>> -> memref<1024xi32, #tpu.memory_space<hbm>>
    %dma_start3A_49 = tpu.memref_slice %arg9[%dma_start3A_43] : memref<4x!tpu.dma_semaphore, #tpu.memory_space<semaphore_mem>> -> memref<1x!tpu.dma_semaphore, #tpu.memory_space<semaphore_mem>>
    %dma_start3A_50 = tpu.memref_squeeze %dma_start3A_49 : memref<1x!tpu.dma_semaphore, #tpu.memory_space<semaphore_mem>> -> memref<!tpu.dma_semaphore, #tpu.memory_space<semaphore_mem>>
    %dma_start3A_51 = arith.constant 1024 : i32
    %dma_start3A_52 = tpu.memref_slice %arg6[%dma_start3A_51] : memref<4096xi32, #tpu.memory_space<vmem>> -> memref<1024xi32, #tpu.memory_space<vmem>>
    %dma_start3A_53 = arith.constant 1024 : i32
    %dma_start3A_54 = tpu.memref_slice %arg3[%add3A, %dma_start3A_53] : memref<32x4096xi32, #tpu.memory_space<hbm>> -> memref<1x1024xi32, #tpu.memory_space<hbm>>
    %dma_start3A_55 = tpu.memref_squeeze %dma_start3A_54 : memref<1x1024xi32, #tpu.memory_space<hbm>> -> memref<1024xi32, #tpu.memory_space<hbm>>
    tpu.enqueue_dma source(%dma_start3A_55 : memref<1024xi32, #tpu.memory_space<hbm>>) target(%dma_start3A_52 : memref<1024xi32, #tpu.memory_space<vmem>>) target_semaphore(%dma_start3A_50 : memref<!tpu.dma_semaphore, #tpu.memory_space<semaphore_mem>>)
    %dma_start3A_56 = arith.constant 1 : i32
    %dma_start3A_57 = arith.constant 1024 : i32
    %dma_start3A_58 = tpu.memref_slice %arg7[%dma_start3A_57] : memref<4096xf32, #tpu.memory_space<vmem>> -> memref<1024xf32, #tpu.memory_space<vmem>>
    %dma_start3A_59 = arith.constant 1024 : i32
    %dma_start3A_60 = tpu.memref_slice %arg4[%add3A, %dma_start3A_59] : memref<32x4096xf32, #tpu.memory_space<hbm>> -> memref<1x1024xf32, #tpu.memory_space<hbm>>
    %dma_start3A_61 = tpu.memref_squeeze %dma_start3A_60 : memref<1x1024xf32, #tpu.memory_space<hbm>> -> memref<1024xf32, #tpu.memory_space<hbm>>
    %dma_start3A_62 = tpu.memref_slice %arg9[%dma_start3A_56] : memref<4x!tpu.dma_semaphore, #tpu.memory_space<semaphore_mem>> -> memref<1x!tpu.dma_semaphore, #tpu.memory_space<semaphore_mem>>
    %dma_start3A_63 = tpu.memref_squeeze %dma_start3A_62 : memref<1x!tpu.dma_semaphore, #tpu.memory_space<semaphore_mem>> -> memref<!tpu.dma_semaphore, #tpu.memory_space<semaphore_mem>>
    %dma_start3A_64 = arith.constant 1024 : i32
    %dma_start3A_65 = tpu.memref_slice %arg7[%dma_start3A_64] : memref<4096xf32, #tpu.memory_space<vmem>> -> memref<1024xf32, #tpu.memory_space<vmem>>
    %dma_start3A_66 = arith.constant 1024 : i32
    %dma_start3A_67 = tpu.memref_slice %arg4[%add3A, %dma_start3A_66] : memref<32x4096xf32, #tpu.memory_space<hbm>> -> memref<1x1024xf32, #tpu.memory_space<hbm>>
    %dma_start3A_68 = tpu.memref_squeeze %dma_start3A_67 : memref<1x1024xf32, #tpu.memory_space<hbm>> -> memref<1024xf32, #tpu.memory_space<hbm>>
    tpu.enqueue_dma source(%dma_start3A_68 : memref<1024xf32, #tpu.memory_space<hbm>>) target(%dma_start3A_65 : memref<1024xf32, #tpu.memory_space<vmem>>) target_semaphore(%dma_start3A_63 : memref<!tpu.dma_semaphore, #tpu.memory_space<semaphore_mem>>)
    %add3A_69 = arith.constant 128 : i32
    %add3A_70 = arith.addi %mul3A_2, %add3A_69 : i32
    %dma_start3A_71 = arith.constant 1 : i32
    %dma_start3A_72 = arith.constant 128 : i32
    %dma_start3A_73 = arith.constant 0 : i32
    %dma_start3A_74 = tpu.memref_slice %arg8[%dma_start3A_72, %dma_start3A_73] : memref<512x128xf32, #tpu.memory_space<vmem>> -> memref<128x128xf32, #tpu.memory_space<vmem>>
    %dma_start3A_75 = arith.constant 0 : i32
    %dma_start3A_76 = tpu.memref_slice %arg2[%add3A_70, %dma_start3A_75] : memref<16384x128xf32, #tpu.memory_space<hbm>> -> memref<128x128xf32, #tpu.memory_space<hbm>>
    %dma_start3A_77 = tpu.memref_slice %arg9[%dma_start3A_71] : memref<4x!tpu.dma_semaphore, #tpu.memory_space<semaphore_mem>> -> memref<1x!tpu.dma_semaphore, #tpu.memory_space<semaphore_mem>>
    %dma_start3A_78 = tpu.memref_squeeze %dma_start3A_77 : memref<1x!tpu.dma_semaphore, #tpu.memory_space<semaphore_mem>> -> memref<!tpu.dma_semaphore, #tpu.memory_space<semaphore_mem>>
    %dma_start3A_79 = arith.constant 128 : i32
    %dma_start3A_80 = arith.constant 0 : i32
    %dma_start3A_81 = tpu.memref_slice %arg8[%dma_start3A_79, %dma_start3A_80] : memref<512x128xf32, #tpu.memory_space<vmem>> -> memref<128x128xf32, #tpu.memory_space<vmem>>
    %dma_start3A_82 = arith.constant 0 : i32
    %dma_start3A_83 = tpu.memref_slice %arg2[%add3A_70, %dma_start3A_82] : memref<16384x128xf32, #tpu.memory_space<hbm>> -> memref<128x128xf32, #tpu.memory_space<hbm>>
    tpu.enqueue_dma source(%dma_start3A_83 : memref<128x128xf32, #tpu.memory_space<hbm>>) target(%dma_start3A_81 : memref<128x128xf32, #tpu.memory_space<vmem>>) target_semaphore(%dma_start3A_78 : memref<!tpu.dma_semaphore, #tpu.memory_space<semaphore_mem>>)
    %dma_start3A_84 = arith.constant 2 : i32
    %dma_start3A_85 = arith.constant 2048 : i32
    %dma_start3A_86 = tpu.memref_slice %arg6[%dma_start3A_85] : memref<4096xi32, #tpu.memory_space<vmem>> -> memref<1024xi32, #tpu.memory_space<vmem>>
    %dma_start3A_87 = arith.constant 2048 : i32
    %dma_start3A_88 = tpu.memref_slice %arg3[%add3A, %dma_start3A_87] : memref<32x4096xi32, #tpu.memory_space<hbm>> -> memref<1x1024xi32, #tpu.memory_space<hbm>>
    %dma_start3A_89 = tpu.memref_squeeze %dma_start3A_88 : memref<1x1024xi32, #tpu.memory_space<hbm>> -> memref<1024xi32, #tpu.memory_space<hbm>>
    %dma_start3A_90 = tpu.memref_slice %arg9[%dma_start3A_84] : memref<4x!tpu.dma_semaphore, #tpu.memory_space<semaphore_mem>> -> memref<1x!tpu.dma_semaphore, #tpu.memory_space<semaphore_mem>>
    %dma_start3A_91 = tpu.memref_squeeze %dma_start3A_90 : memref<1x!tpu.dma_semaphore, #tpu.memory_space<semaphore_mem>> -> memref<!tpu.dma_semaphore, #tpu.memory_space<semaphore_mem>>
    %dma_start3A_92 = arith.constant 2048 : i32
    %dma_start3A_93 = tpu.memref_slice %arg6[%dma_start3A_92] : memref<4096xi32, #tpu.memory_space<vmem>> -> memref<1024xi32, #tpu.memory_space<vmem>>
    %dma_start3A_94 = arith.constant 2048 : i32
    %dma_start3A_95 = tpu.memref_slice %arg3[%add3A, %dma_start3A_94] : memref<32x4096xi32, #tpu.memory_space<hbm>> -> memref<1x1024xi32, #tpu.memory_space<hbm>>
    %dma_start3A_96 = tpu.memref_squeeze %dma_start3A_95 : memref<1x1024xi32, #tpu.memory_space<hbm>> -> memref<1024xi32, #tpu.memory_space<hbm>>
    tpu.enqueue_dma source(%dma_start3A_96 : memref<1024xi32, #tpu.memory_space<hbm>>) target(%dma_start3A_93 : memref<1024xi32, #tpu.memory_space<vmem>>) target_semaphore(%dma_start3A_91 : memref<!tpu.dma_semaphore, #tpu.memory_space<semaphore_mem>>)
    %dma_start3A_97 = arith.constant 2 : i32
    %dma_start3A_98 = arith.constant 2048 : i32
    %dma_start3A_99 = tpu.memref_slice %arg7[%dma_start3A_98] : memref<4096xf32, #tpu.memory_space<vmem>> -> memref<1024xf32, #tpu.memory_space<vmem>>
    %dma_start3A_100 = arith.constant 2048 : i32
    %dma_start3A_101 = tpu.memref_slice %arg4[%add3A, %dma_start3A_100] : memref<32x4096xf32, #tpu.memory_space<hbm>> -> memref<1x1024xf32, #tpu.memory_space<hbm>>
    %dma_start3A_102 = tpu.memref_squeeze %dma_start3A_101 : memref<1x1024xf32, #tpu.memory_space<hbm>> -> memref<1024xf32, #tpu.memory_space<hbm>>
    %dma_start3A_103 = tpu.memref_slice %arg9[%dma_start3A_97] : memref<4x!tpu.dma_semaphore, #tpu.memory_space<semaphore_mem>> -> memref<1x!tpu.dma_semaphore, #tpu.memory_space<semaphore_mem>>
    %dma_start3A_104 = tpu.memref_squeeze %dma_start3A_103 : memref<1x!tpu.dma_semaphore, #tpu.memory_space<semaphore_mem>> -> memref<!tpu.dma_semaphore, #tpu.memory_space<semaphore_mem>>
    %dma_start3A_105 = arith.constant 2048 : i32
    %dma_start3A_106 = tpu.memref_slice %arg7[%dma_start3A_105] : memref<4096xf32, #tpu.memory_space<vmem>> -> memref<1024xf32, #tpu.memory_space<vmem>>
    %dma_start3A_107 = arith.constant 2048 : i32
    %dma_start3A_108 = tpu.memref_slice %arg4[%add3A, %dma_start3A_107] : memref<32x4096xf32, #tpu.memory_space<hbm>> -> memref<1x1024xf32, #tpu.memory_space<hbm>>
    %dma_start3A_109 = tpu.memref_squeeze %dma_start3A_108 : memref<1x1024xf32, #tpu.memory_space<hbm>> -> memref<1024xf32, #tpu.memory_space<hbm>>
    tpu.enqueue_dma source(%dma_start3A_109 : memref<1024xf32, #tpu.memory_space<hbm>>) target(%dma_start3A_106 : memref<1024xf32, #tpu.memory_space<vmem>>) target_semaphore(%dma_start3A_104 : memref<!tpu.dma_semaphore, #tpu.memory_space<semaphore_mem>>)
    %add3A_110 = arith.constant 256 : i32
    %add3A_111 = arith.addi %mul3A_2, %add3A_110 : i32
    %dma_start3A_112 = arith.constant 2 : i32
    %dma_start3A_113 = arith.constant 256 : i32
    %dma_start3A_114 = arith.constant 0 : i32
    %dma_start3A_115 = tpu.memref_slice %arg8[%dma_start3A_113, %dma_start3A_114] : memref<512x128xf32, #tpu.memory_space<vmem>> -> memref<128x128xf32, #tpu.memory_space<vmem>>
    %dma_start3A_116 = arith.constant 0 : i32
    %dma_start3A_117 = tpu.memref_slice %arg2[%add3A_111, %dma_start3A_116] : memref<16384x128xf32, #tpu.memory_space<hbm>> -> memref<128x128xf32, #tpu.memory_space<hbm>>
    %dma_start3A_118 = tpu.memref_slice %arg9[%dma_start3A_112] : memref<4x!tpu.dma_semaphore, #tpu.memory_space<semaphore_mem>> -> memref<1x!tpu.dma_semaphore, #tpu.memory_space<semaphore_mem>>
    %dma_start3A_119 = tpu.memref_squeeze %dma_start3A_118 : memref<1x!tpu.dma_semaphore, #tpu.memory_space<semaphore_mem>> -> memref<!tpu.dma_semaphore, #tpu.memory_space<semaphore_mem>>
    %dma_start3A_120 = arith.constant 256 : i32
    %dma_start3A_121 = arith.constant 0 : i32
    %dma_start3A_122 = tpu.memref_slice %arg8[%dma_start3A_120, %dma_start3A_121] : memref<512x128xf32, #tpu.memory_space<vmem>> -> memref<128x128xf32, #tpu.memory_space<vmem>>
    %dma_start3A_123 = arith.constant 0 : i32
    %dma_start3A_124 = tpu.memref_slice %arg2[%add3A_111, %dma_start3A_123] : memref<16384x128xf32, #tpu.memory_space<hbm>> -> memref<128x128xf32, #tpu.memory_space<hbm>>
    tpu.enqueue_dma source(%dma_start3A_124 : memref<128x128xf32, #tpu.memory_space<hbm>>) target(%dma_start3A_122 : memref<128x128xf32, #tpu.memory_space<vmem>>) target_semaphore(%dma_start3A_119 : memref<!tpu.dma_semaphore, #tpu.memory_space<semaphore_mem>>)
    %dma_start3A_125 = arith.constant 3 : i32
    %dma_start3A_126 = arith.constant 3072 : i32
    %dma_start3A_127 = tpu.memref_slice %arg6[%dma_start3A_126] : memref<4096xi32, #tpu.memory_space<vmem>> -> memref<1024xi32, #tpu.memory_space<vmem>>
    %dma_start3A_128 = arith.constant 3072 : i32
    %dma_start3A_129 = tpu.memref_slice %arg3[%add3A, %dma_start3A_128] : memref<32x4096xi32, #tpu.memory_space<hbm>> -> memref<1x1024xi32, #tpu.memory_space<hbm>>
    %dma_start3A_130 = tpu.memref_squeeze %dma_start3A_129 : memref<1x1024xi32, #tpu.memory_space<hbm>> -> memref<1024xi32, #tpu.memory_space<hbm>>
    %dma_start3A_131 = tpu.memref_slice %arg9[%dma_start3A_125] : memref<4x!tpu.dma_semaphore, #tpu.memory_space<semaphore_mem>> -> memref<1x!tpu.dma_semaphore, #tpu.memory_space<semaphore_mem>>
    %dma_start3A_132 = tpu.memref_squeeze %dma_start3A_131 : memref<1x!tpu.dma_semaphore, #tpu.memory_space<semaphore_mem>> -> memref<!tpu.dma_semaphore, #tpu.memory_space<semaphore_mem>>
    %dma_start3A_133 = arith.constant 3072 : i32
    %dma_start3A_134 = tpu.memref_slice %arg6[%dma_start3A_133] : memref<4096xi32, #tpu.memory_space<vmem>> -> memref<1024xi32, #tpu.memory_space<vmem>>
    %dma_start3A_135 = arith.constant 3072 : i32
    %dma_start3A_136 = tpu.memref_slice %arg3[%add3A, %dma_start3A_135] : memref<32x4096xi32, #tpu.memory_space<hbm>> -> memref<1x1024xi32, #tpu.memory_space<hbm>>
    %dma_start3A_137 = tpu.memref_squeeze %dma_start3A_136 : memref<1x1024xi32, #tpu.memory_space<hbm>> -> memref<1024xi32, #tpu.memory_space<hbm>>
    tpu.enqueue_dma source(%dma_start3A_137 : memref<1024xi32, #tpu.memory_space<hbm>>) target(%dma_start3A_134 : memref<1024xi32, #tpu.memory_space<vmem>>) target_semaphore(%dma_start3A_132 : memref<!tpu.dma_semaphore, #tpu.memory_space<semaphore_mem>>)
    %dma_start3A_138 = arith.constant 3 : i32
    %dma_start3A_139 = arith.constant 3072 : i32
    %dma_start3A_140 = tpu.memref_slice %arg7[%dma_start3A_139] : memref<4096xf32, #tpu.memory_space<vmem>> -> memref<1024xf32, #tpu.memory_space<vmem>>
    %dma_start3A_141 = arith.constant 3072 : i32
    %dma_start3A_142 = tpu.memref_slice %arg4[%add3A, %dma_start3A_141] : memref<32x4096xf32, #tpu.memory_space<hbm>> -> memref<1x1024xf32, #tpu.memory_space<hbm>>
    %dma_start3A_143 = tpu.memref_squeeze %dma_start3A_142 : memref<1x1024xf32, #tpu.memory_space<hbm>> -> memref<1024xf32, #tpu.memory_space<hbm>>
    %dma_start3A_144 = tpu.memref_slice %arg9[%dma_start3A_138] : memref<4x!tpu.dma_semaphore, #tpu.memory_space<semaphore_mem>> -> memref<1x!tpu.dma_semaphore, #tpu.memory_space<semaphore_mem>>
    %dma_start3A_145 = tpu.memref_squeeze %dma_start3A_144 : memref<1x!tpu.dma_semaphore, #tpu.memory_space<semaphore_mem>> -> memref<!tpu.dma_semaphore, #tpu.memory_space<semaphore_mem>>
    %dma_start3A_146 = arith.constant 3072 : i32
    %dma_start3A_147 = tpu.memref_slice %arg7[%dma_start3A_146] : memref<4096xf32, #tpu.memory_space<vmem>> -> memref<1024xf32, #tpu.memory_space<vmem>>
    %dma_start3A_148 = arith.constant 3072 : i32
    %dma_start3A_149 = tpu.memref_slice %arg4[%add3A, %dma_start3A_148] : memref<32x4096xf32, #tpu.memory_space<hbm>> -> memref<1x1024xf32, #tpu.memory_space<hbm>>
    %dma_start3A_150 = tpu.memref_squeeze %dma_start3A_149 : memref<1x1024xf32, #tpu.memory_space<hbm>> -> memref<1024xf32, #tpu.memory_space<hbm>>
    tpu.enqueue_dma source(%dma_start3A_150 : memref<1024xf32, #tpu.memory_space<hbm>>) target(%dma_start3A_147 : memref<1024xf32, #tpu.memory_space<vmem>>) target_semaphore(%dma_start3A_145 : memref<!tpu.dma_semaphore, #tpu.memory_space<semaphore_mem>>)
    %add3A_151 = arith.constant 384 : i32
    %add3A_152 = arith.addi %mul3A_2, %add3A_151 : i32
    %dma_start3A_153 = arith.constant 3 : i32
    %dma_start3A_154 = arith.constant 384 : i32
    %dma_start3A_155 = arith.constant 0 : i32
    %dma_start3A_156 = tpu.memref_slice %arg8[%dma_start3A_154, %dma_start3A_155] : memref<512x128xf32, #tpu.memory_space<vmem>> -> memref<128x128xf32, #tpu.memory_space<vmem>>
    %dma_start3A_157 = arith.constant 0 : i32
    %dma_start3A_158 = tpu.memref_slice %arg2[%add3A_152, %dma_start3A_157] : memref<16384x128xf32, #tpu.memory_space<hbm>> -> memref<128x128xf32, #tpu.memory_space<hbm>>
    %dma_start3A_159 = tpu.memref_slice %arg9[%dma_start3A_153] : memref<4x!tpu.dma_semaphore, #tpu.memory_space<semaphore_mem>> -> memref<1x!tpu.dma_semaphore, #tpu.memory_space<semaphore_mem>>
    %dma_start3A_160 = tpu.memref_squeeze %dma_start3A_159 : memref<1x!tpu.dma_semaphore, #tpu.memory_space<semaphore_mem>> -> memref<!tpu.dma_semaphore, #tpu.memory_space<semaphore_mem>>
    %dma_start3A_161 = arith.constant 384 : i32
    %dma_start3A_162 = arith.constant 0 : i32
    %dma_start3A_163 = tpu.memref_slice %arg8[%dma_start3A_161, %dma_start3A_162] : memref<512x128xf32, #tpu.memory_space<vmem>> -> memref<128x128xf32, #tpu.memory_space<vmem>>
    %dma_start3A_164 = arith.constant 0 : i32
    %dma_start3A_165 = tpu.memref_slice %arg2[%add3A_152, %dma_start3A_164] : memref<16384x128xf32, #tpu.memory_space<hbm>> -> memref<128x128xf32, #tpu.memory_space<hbm>>
    tpu.enqueue_dma source(%dma_start3A_165 : memref<128x128xf32, #tpu.memory_space<hbm>>) target(%dma_start3A_163 : memref<128x128xf32, #tpu.memory_space<vmem>>) target_semaphore(%dma_start3A_160 : memref<!tpu.dma_semaphore, #tpu.memory_space<semaphore_mem>>)
    %iota3A = tpu.iota {dimensions = array<i32: 0>} : vector<16xi32>
    %dma_wait3A = arith.constant 0 : i32
    %dma_wait3A_166 = arith.constant 0 : i32
    %dma_wait3A_167 = tpu.memref_slice %arg6[%dma_wait3A_166] : memref<4096xi32, #tpu.memory_space<vmem>> -> memref<1024xi32, #tpu.memory_space<vmem>>
    %dma_wait3A_168 = arith.constant 0 : i32
    %dma_wait3A_169 = tpu.memref_slice %arg3[%add3A, %dma_wait3A_168] : memref<32x4096xi32, #tpu.memory_space<hbm>> -> memref<1x1024xi32, #tpu.memory_space<hbm>>
    %dma_wait3A_170 = tpu.memref_squeeze %dma_wait3A_169 : memref<1x1024xi32, #tpu.memory_space<hbm>> -> memref<1024xi32, #tpu.memory_space<hbm>>
    %dma_wait3A_171 = tpu.memref_slice %arg9[%dma_wait3A] : memref<4x!tpu.dma_semaphore, #tpu.memory_space<semaphore_mem>> -> memref<1x!tpu.dma_semaphore, #tpu.memory_space<semaphore_mem>>
    %dma_wait3A_172 = tpu.memref_squeeze %dma_wait3A_171 : memref<1x!tpu.dma_semaphore, #tpu.memory_space<semaphore_mem>> -> memref<!tpu.dma_semaphore, #tpu.memory_space<semaphore_mem>>
    %dma_wait3A_173 = arith.constant 0 : i32
    %dma_wait3A_174 = tpu.memref_slice %arg6[%dma_wait3A_173] : memref<4096xi32, #tpu.memory_space<vmem>> -> memref<1024xi32, #tpu.memory_space<vmem>>
    %dma_wait3A_175 = arith.constant 0 : i32
    %dma_wait3A_176 = tpu.memref_slice %arg3[%add3A, %dma_wait3A_175] : memref<32x4096xi32, #tpu.memory_space<hbm>> -> memref<1x1024xi32, #tpu.memory_space<hbm>>
    %dma_wait3A_177 = tpu.memref_squeeze %dma_wait3A_176 : memref<1x1024xi32, #tpu.memory_space<hbm>> -> memref<1024xi32, #tpu.memory_space<hbm>>
    tpu.wait_dma2 semaphore(%dma_wait3A_172 : memref<!tpu.dma_semaphore, #tpu.memory_space<semaphore_mem>>) src(%dma_wait3A_177 : memref<1024xi32, #tpu.memory_space<hbm>>) dst(%dma_wait3A_174 : memref<1024xi32, #tpu.memory_space<vmem>>)
    %dma_wait3A_178 = arith.constant 0 : i32
    %dma_wait3A_179 = arith.constant 0 : i32
    %dma_wait3A_180 = tpu.memref_slice %arg7[%dma_wait3A_179] : memref<4096xf32, #tpu.memory_space<vmem>> -> memref<1024xf32, #tpu.memory_space<vmem>>
    %dma_wait3A_181 = arith.constant 0 : i32
    %dma_wait3A_182 = tpu.memref_slice %arg4[%add3A, %dma_wait3A_181] : memref<32x4096xf32, #tpu.memory_space<hbm>> -> memref<1x1024xf32, #tpu.memory_space<hbm>>
    %dma_wait3A_183 = tpu.memref_squeeze %dma_wait3A_182 : memref<1x1024xf32, #tpu.memory_space<hbm>> -> memref<1024xf32, #tpu.memory_space<hbm>>
    %dma_wait3A_184 = tpu.memref_slice %arg9[%dma_wait3A_178] : memref<4x!tpu.dma_semaphore, #tpu.memory_space<semaphore_mem>> -> memref<1x!tpu.dma_semaphore, #tpu.memory_space<semaphore_mem>>
    %dma_wait3A_185 = tpu.memref_squeeze %dma_wait3A_184 : memref<1x!tpu.dma_semaphore, #tpu.memory_space<semaphore_mem>> -> memref<!tpu.dma_semaphore, #tpu.memory_space<semaphore_mem>>
    %dma_wait3A_186 = arith.constant 0 : i32
    %dma_wait3A_187 = tpu.memref_slice %arg7[%dma_wait3A_186] : memref<4096xf32, #tpu.memory_space<vmem>> -> memref<1024xf32, #tpu.memory_space<vmem>>
    %dma_wait3A_188 = arith.constant 0 : i32
    %dma_wait3A_189 = tpu.memref_slice %arg4[%add3A, %dma_wait3A_188] : memref<32x4096xf32, #tpu.memory_space<hbm>> -> memref<1x1024xf32, #tpu.memory_space<hbm>>
    %dma_wait3A_190 = tpu.memref_squeeze %dma_wait3A_189 : memref<1x1024xf32, #tpu.memory_space<hbm>> -> memref<1024xf32, #tpu.memory_space<hbm>>
    tpu.wait_dma2 semaphore(%dma_wait3A_185 : memref<!tpu.dma_semaphore, #tpu.memory_space<semaphore_mem>>) src(%dma_wait3A_190 : memref<1024xf32, #tpu.memory_space<hbm>>) dst(%dma_wait3A_187 : memref<1024xf32, #tpu.memory_space<vmem>>)
    %dma_wait3A_191 = arith.constant 0 : i32
    %dma_wait3A_192 = arith.constant 0 : i32
    %dma_wait3A_193 = arith.constant 0 : i32
    %dma_wait3A_194 = tpu.memref_slice %arg8[%dma_wait3A_192, %dma_wait3A_193] : memref<512x128xf32, #tpu.memory_space<vmem>> -> memref<128x128xf32, #tpu.memory_space<vmem>>
    %dma_wait3A_195 = arith.constant 0 : i32
    %dma_wait3A_196 = tpu.memref_slice %arg2[%add3A_29, %dma_wait3A_195] : memref<16384x128xf32, #tpu.memory_space<hbm>> -> memref<128x128xf32, #tpu.memory_space<hbm>>
    %dma_wait3A_197 = tpu.memref_slice %arg9[%dma_wait3A_191] : memref<4x!tpu.dma_semaphore, #tpu.memory_space<semaphore_mem>> -> memref<1x!tpu.dma_semaphore, #tpu.memory_space<semaphore_mem>>
    %dma_wait3A_198 = tpu.memref_squeeze %dma_wait3A_197 : memref<1x!tpu.dma_semaphore, #tpu.memory_space<semaphore_mem>> -> memref<!tpu.dma_semaphore, #tpu.memory_space<semaphore_mem>>
    %dma_wait3A_199 = arith.constant 0 : i32
    %dma_wait3A_200 = arith.constant 0 : i32
    %dma_wait3A_201 = tpu.memref_slice %arg8[%dma_wait3A_199, %dma_wait3A_200] : memref<512x128xf32, #tpu.memory_space<vmem>> -> memref<128x128xf32, #tpu.memory_space<vmem>>
    %dma_wait3A_202 = arith.constant 0 : i32
    %dma_wait3A_203 = tpu.memref_slice %arg2[%add3A_29, %dma_wait3A_202] : memref<16384x128xf32, #tpu.memory_space<hbm>> -> memref<128x128xf32, #tpu.memory_space<hbm>>
    tpu.wait_dma2 semaphore(%dma_wait3A_198 : memref<!tpu.dma_semaphore, #tpu.memory_space<semaphore_mem>>) src(%dma_wait3A_203 : memref<128x128xf32, #tpu.memory_space<hbm>>) dst(%dma_wait3A_201 : memref<128x128xf32, #tpu.memory_space<vmem>>)
    %scan3A = arith.constant 0 : i32
    %scan3A_204 = arith.constant 0 : i32
    %scan3A_205 = arith.constant 8 : i32
    %scan3A_206 = arith.addi %scan3A_204, %scan3A_205 : i32
    %scan3A_207 = arith.constant 1 : i32
    scf.for %scan3A_432 = %scan3A_204 to %scan3A_206 step %scan3A_207  : i32 {
      %mul3A_433 = arith.constant 16 : i32
      %mul3A_434 = arith.muli %scan3A_432, %mul3A_433 : i32
      %add3A_435 = arith.constant 0 : i32
      %add3A_436 = arith.addi %add3A_435, %mul3A_434 : i32
      %add3A_437 = vector.broadcast %add3A_436 : i32 to vector<16xi32>
      %add3A_438 = arith.addi %add3A_437, %iota3A : vector<16xi32>
      %mul3A_439 = arith.constant 16 : i32
      %mul3A_440 = arith.muli %scan3A_432, %mul3A_439 : i32
      %add3A_441 = arith.constant 0 : i32
      %add3A_442 = arith.addi %add3A_441, %mul3A_440 : i32
      %get3A = arith.index_cast %add3A_442 : i32 to index
      %get3A_443 = tpu.vector_load %arg6[%get3A] {strides = array<i32>} : memref<4096xi32, #tpu.memory_space<vmem>>, vector<16xi32>,
      %get3A_444 = arith.index_cast %add3A_442 : i32 to index
      %get3A_445 = tpu.vector_load %arg7[%get3A_444] {strides = array<i32>} : memref<4096xf32, #tpu.memory_space<vmem>>, vector<16xf32>,
      %gather3A = tpu.vector_load_idx %arg8[%add3A_438, %get3A_443] : memref<512x128xf32, #tpu.memory_space<vmem>>[vector<16xi32>, vector<16xi32>], vector<16xf32>,
      %add3A_446 = arith.addf %gather3A, %get3A_445 : vector<16xf32>
      %mul3A_447 = arith.constant 16 : i32
      %mul3A_448 = arith.muli %scan3A_432, %mul3A_447 : i32
      %add3A_449 = arith.constant 128 : i32
      %add3A_450 = arith.addi %add3A_449, %mul3A_448 : i32
      %get3A_451 = arith.index_cast %add3A_450 : i32 to index
      %get3A_452 = tpu.vector_load %arg6[%get3A_451] {strides = array<i32>} : memref<4096xi32, #tpu.memory_space<vmem>>, vector<16xi32>,
      %get3A_453 = arith.index_cast %add3A_450 : i32 to index
      %get3A_454 = tpu.vector_load %arg7[%get3A_453] {strides = array<i32>} : memref<4096xf32, #tpu.memory_space<vmem>>, vector<16xf32>,
      %gather3A_455 = tpu.vector_load_idx %arg8[%add3A_438, %get3A_452] : memref<512x128xf32, #tpu.memory_space<vmem>>[vector<16xi32>, vector<16xi32>], vector<16xf32>,
      %add3A_456 = arith.addf %gather3A_455, %get3A_454 : vector<16xf32>
      %mul3A_457 = arith.constant 16 : i32
      %mul3A_458 = arith.muli %scan3A_432, %mul3A_457 : i32
      %add3A_459 = arith.constant 256 : i32
      %add3A_460 = arith.addi %add3A_459, %mul3A_458 : i32
      %get3A_461 = arith.index_cast %add3A_460 : i32 to index
      %get3A_462 = tpu.vector_load %arg6[%get3A_461] {strides = array<i32>} : memref<4096xi32, #tpu.memory_space<vmem>>, vector<16xi32>,
      %get3A_463 = arith.index_cast %add3A_460 : i32 to index
      %get3A_464 = tpu.vector_load %arg7[%get3A_463] {strides = array<i32>} : memref<4096xf32, #tpu.memory_space<vmem>>, vector<16xf32>,
      %gather3A_465 = tpu.vector_load_idx %arg8[%add3A_438, %get3A_462] : memref<512x128xf32, #tpu.memory_space<vmem>>[vector<16xi32>, vector<16xi32>], vector<16xf32>,
      %add3A_466 = arith.addf %gather3A_465, %get3A_464 : vector<16xf32>
      %mul3A_467 = arith.constant 16 : i32
      %mul3A_468 = arith.muli %scan3A_432, %mul3A_467 : i32
      %add3A_469 = arith.constant 384 : i32
      %add3A_470 = arith.addi %add3A_469, %mul3A_468 : i32
      %get3A_471 = arith.index_cast %add3A_470 : i32 to index
      %get3A_472 = tpu.vector_load %arg6[%get3A_471] {strides = array<i32>} : memref<4096xi32, #tpu.memory_space<vmem>>, vector<16xi32>,
      %get3A_473 = arith.index_cast %add3A_470 : i32 to index
      %get3A_474 = tpu.vector_load %arg7[%get3A_473] {strides = array<i32>} : memref<4096xf32, #tpu.memory_space<vmem>>, vector<16xf32>,
      %gather3A_475 = tpu.vector_load_idx %arg8[%add3A_438, %get3A_472] : memref<512x128xf32, #tpu.memory_space<vmem>>[vector<16xi32>, vector<16xi32>], vector<16xf32>,
      %add3A_476 = arith.addf %gather3A_475, %get3A_474 : vector<16xf32>
      %mul3A_477 = arith.constant 16 : i32
      %mul3A_478 = arith.muli %scan3A_432, %mul3A_477 : i32
      %add3A_479 = arith.constant 512 : i32
      %add3A_480 = arith.addi %add3A_479, %mul3A_478 : i32
      %get3A_481 = arith.index_cast %add3A_480 : i32 to index
      %get3A_482 = tpu.vector_load %arg6[%get3A_481] {strides = array<i32>} : memref<4096xi32, #tpu.memory_space<vmem>>, vector<16xi32>,
      %get3A_483 = arith.index_cast %add3A_480 : i32 to index
      %get3A_484 = tpu.vector_load %arg7[%get3A_483] {strides = array<i32>} : memref<4096xf32, #tpu.memory_space<vmem>>, vector<16xf32>,
      %gather3A_485 = tpu.vector_load_idx %arg8[%add3A_438, %get3A_482] : memref<512x128xf32, #tpu.memory_space<vmem>>[vector<16xi32>, vector<16xi32>], vector<16xf32>,
      %add3A_486 = arith.addf %gather3A_485, %get3A_484 : vector<16xf32>
      %mul3A_487 = arith.constant 16 : i32
      %mul3A_488 = arith.muli %scan3A_432, %mul3A_487 : i32
      %add3A_489 = arith.constant 640 : i32
      %add3A_490 = arith.addi %add3A_489, %mul3A_488 : i32
      %get3A_491 = arith.index_cast %add3A_490 : i32 to index
      %get3A_492 = tpu.vector_load %arg6[%get3A_491] {strides = array<i32>} : memref<4096xi32, #tpu.memory_space<vmem>>, vector<16xi32>,
      %get3A_493 = arith.index_cast %add3A_490 : i32 to index
      %get3A_494 = tpu.vector_load %arg7[%get3A_493] {strides = array<i32>} : memref<4096xf32, #tpu.memory_space<vmem>>, vector<16xf32>,
      %gather3A_495 = tpu.vector_load_idx %arg8[%add3A_438, %get3A_492] : memref<512x128xf32, #tpu.memory_space<vmem>>[vector<16xi32>, vector<16xi32>], vector<16xf32>,
      %add3A_496 = arith.addf %gather3A_495, %get3A_494 : vector<16xf32>
      %mul3A_497 = arith.constant 16 : i32
      %mul3A_498 = arith.muli %scan3A_432, %mul3A_497 : i32
      %add3A_499 = arith.constant 768 : i32
      %add3A_500 = arith.addi %add3A_499, %mul3A_498 : i32
      %get3A_501 = arith.index_cast %add3A_500 : i32 to index
      %get3A_502 = tpu.vector_load %arg6[%get3A_501] {strides = array<i32>} : memref<4096xi32, #tpu.memory_space<vmem>>, vector<16xi32>,
      %get3A_503 = arith.index_cast %add3A_500 : i32 to index
      %get3A_504 = tpu.vector_load %arg7[%get3A_503] {strides = array<i32>} : memref<4096xf32, #tpu.memory_space<vmem>>, vector<16xf32>,
      %gather3A_505 = tpu.vector_load_idx %arg8[%add3A_438, %get3A_502] : memref<512x128xf32, #tpu.memory_space<vmem>>[vector<16xi32>, vector<16xi32>], vector<16xf32>,
      %add3A_506 = arith.addf %gather3A_505, %get3A_504 : vector<16xf32>
      %mul3A_507 = arith.constant 16 : i32
      %mul3A_508 = arith.muli %scan3A_432, %mul3A_507 : i32
      %add3A_509 = arith.constant 896 : i32
      %add3A_510 = arith.addi %add3A_509, %mul3A_508 : i32
      %get3A_511 = arith.index_cast %add3A_510 : i32 to index
      %get3A_512 = tpu.vector_load %arg6[%get3A_511] {strides = array<i32>} : memref<4096xi32, #tpu.memory_space<vmem>>, vector<16xi32>,
      %get3A_513 = arith.index_cast %add3A_510 : i32 to index
      %get3A_514 = tpu.vector_load %arg7[%get3A_513] {strides = array<i32>} : memref<4096xf32, #tpu.memory_space<vmem>>, vector<16xf32>,
      %gather3A_515 = tpu.vector_load_idx %arg8[%add3A_438, %get3A_512] : memref<512x128xf32, #tpu.memory_space<vmem>>[vector<16xi32>, vector<16xi32>], vector<16xf32>,
      %add3A_516 = arith.addf %gather3A_515, %get3A_514 : vector<16xf32>
      tpu.vector_store_idx %arg8[%add3A_438, %get3A_443], %add3A_446 : memref<512x128xf32, #tpu.memory_space<vmem>>[vector<16xi32>, vector<16xi32>], vector<16xf32>,
      tpu.vector_store_idx %arg8[%add3A_438, %get3A_452], %add3A_456 : memref<512x128xf32, #tpu.memory_space<vmem>>[vector<16xi32>, vector<16xi32>], vector<16xf32>,
      tpu.vector_store_idx %arg8[%add3A_438, %get3A_462], %add3A_466 : memref<512x128xf32, #tpu.memory_space<vmem>>[vector<16xi32>, vector<16xi32>], vector<16xf32>,
      tpu.vector_store_idx %arg8[%add3A_438, %get3A_472], %add3A_476 : memref<512x128xf32, #tpu.memory_space<vmem>>[vector<16xi32>, vector<16xi32>], vector<16xf32>,
      tpu.vector_store_idx %arg8[%add3A_438, %get3A_482], %add3A_486 : memref<512x128xf32, #tpu.memory_space<vmem>>[vector<16xi32>, vector<16xi32>], vector<16xf32>,
      tpu.vector_store_idx %arg8[%add3A_438, %get3A_492], %add3A_496 : memref<512x128xf32, #tpu.memory_space<vmem>>[vector<16xi32>, vector<16xi32>], vector<16xf32>,
      tpu.vector_store_idx %arg8[%add3A_438, %get3A_502], %add3A_506 : memref<512x128xf32, #tpu.memory_space<vmem>>[vector<16xi32>, vector<16xi32>], vector<16xf32>,
      tpu.vector_store_idx %arg8[%add3A_438, %get3A_512], %add3A_516 : memref<512x128xf32, #tpu.memory_space<vmem>>[vector<16xi32>, vector<16xi32>], vector<16xf32>,
    }
    %scan3A_208 = arith.constant 8 : i32
    %add3A_209 = arith.constant 0 : i32
    %add3A_210 = arith.addi %mul3A_2, %add3A_209 : i32
    %dma_start3A_211 = arith.constant 0 : i32
    %dma_start3A_212 = arith.constant 0 : i32
    %dma_start3A_213 = tpu.memref_slice %arg8[%dma_start3A_211, %dma_start3A_212] : memref<512x128xf32, #tpu.memory_space<vmem>> -> memref<128x128xf32, #tpu.memory_space<vmem>>
    %dma_start3A_214 = arith.constant 0 : i32
    %dma_start3A_215 = tpu.memref_slice %arg5[%add3A_210, %dma_start3A_214] : memref<16384x128xf32, #tpu.memory_space<hbm>> -> memref<128x128xf32, #tpu.memory_space<hbm>>
    %dma_start3A_216 = arith.constant 0 : i32
    %dma_start3A_217 = tpu.memref_slice %arg5[%add3A_210, %dma_start3A_216] : memref<16384x128xf32, #tpu.memory_space<hbm>> -> memref<128x128xf32, #tpu.memory_space<hbm>>
    %dma_start3A_218 = arith.constant 0 : i32
    %dma_start3A_219 = arith.constant 0 : i32
    %dma_start3A_220 = tpu.memref_slice %arg8[%dma_start3A_218, %dma_start3A_219] : memref<512x128xf32, #tpu.memory_space<vmem>> -> memref<128x128xf32, #tpu.memory_space<vmem>>
    tpu.enqueue_dma source(%dma_start3A_220 : memref<128x128xf32, #tpu.memory_space<vmem>>) target(%dma_start3A_217 : memref<128x128xf32, #tpu.memory_space<hbm>>) target_semaphore(%arg10 : memref<!tpu.dma_semaphore, #tpu.memory_space<semaphore_mem>>)
    %dma_wait3A_221 = arith.constant 1 : i32
    %dma_wait3A_222 = arith.constant 1024 : i32
    %dma_wait3A_223 = tpu.memref_slice %arg6[%dma_wait3A_222] : memref<4096xi32, #tpu.memory_space<vmem>> -> memref<1024xi32, #tpu.memory_space<vmem>>
    %dma_wait3A_224 = arith.constant 1024 : i32
    %dma_wait3A_225 = tpu.memref_slice %arg3[%add3A, %dma_wait3A_224] : memref<32x4096xi32, #tpu.memory_space<hbm>> -> memref<1x1024xi32, #tpu.memory_space<hbm>>
    %dma_wait3A_226 = tpu.memref_squeeze %dma_wait3A_225 : memref<1x1024xi32, #tpu.memory_space<hbm>> -> memref<1024xi32, #tpu.memory_space<hbm>>
    %dma_wait3A_227 = tpu.memref_slice %arg9[%dma_wait3A_221] : memref<4x!tpu.dma_semaphore, #tpu.memory_space<semaphore_mem>> -> memref<1x!tpu.dma_semaphore, #tpu.memory_space<semaphore_mem>>
    %dma_wait3A_228 = tpu.memref_squeeze %dma_wait3A_227 : memref<1x!tpu.dma_semaphore, #tpu.memory_space<semaphore_mem>> -> memref<!tpu.dma_semaphore, #tpu.memory_space<semaphore_mem>>
    %dma_wait3A_229 = arith.constant 1024 : i32
    %dma_wait3A_230 = tpu.memref_slice %arg6[%dma_wait3A_229] : memref<4096xi32, #tpu.memory_space<vmem>> -> memref<1024xi32, #tpu.memory_space<vmem>>
    %dma_wait3A_231 = arith.constant 1024 : i32
    %dma_wait3A_232 = tpu.memref_slice %arg3[%add3A, %dma_wait3A_231] : memref<32x4096xi32, #tpu.memory_space<hbm>> -> memref<1x1024xi32, #tpu.memory_space<hbm>>
    %dma_wait3A_233 = tpu.memref_squeeze %dma_wait3A_232 : memref<1x1024xi32, #tpu.memory_space<hbm>> -> memref<1024xi32, #tpu.memory_space<hbm>>
    tpu.wait_dma2 semaphore(%dma_wait3A_228 : memref<!tpu.dma_semaphore, #tpu.memory_space<semaphore_mem>>) src(%dma_wait3A_233 : memref<1024xi32, #tpu.memory_space<hbm>>) dst(%dma_wait3A_230 : memref<1024xi32, #tpu.memory_space<vmem>>)
    %dma_wait3A_234 = arith.constant 1 : i32
    %dma_wait3A_235 = arith.constant 1024 : i32
    %dma_wait3A_236 = tpu.memref_slice %arg7[%dma_wait3A_235] : memref<4096xf32, #tpu.memory_space<vmem>> -> memref<1024xf32, #tpu.memory_space<vmem>>
    %dma_wait3A_237 = arith.constant 1024 : i32
    %dma_wait3A_238 = tpu.memref_slice %arg4[%add3A, %dma_wait3A_237] : memref<32x4096xf32, #tpu.memory_space<hbm>> -> memref<1x1024xf32, #tpu.memory_space<hbm>>
    %dma_wait3A_239 = tpu.memref_squeeze %dma_wait3A_238 : memref<1x1024xf32, #tpu.memory_space<hbm>> -> memref<1024xf32, #tpu.memory_space<hbm>>
    %dma_wait3A_240 = tpu.memref_slice %arg9[%dma_wait3A_234] : memref<4x!tpu.dma_semaphore, #tpu.memory_space<semaphore_mem>> -> memref<1x!tpu.dma_semaphore, #tpu.memory_space<semaphore_mem>>
    %dma_wait3A_241 = tpu.memref_squeeze %dma_wait3A_240 : memref<1x!tpu.dma_semaphore, #tpu.memory_space<semaphore_mem>> -> memref<!tpu.dma_semaphore, #tpu.memory_space<semaphore_mem>>
    %dma_wait3A_242 = arith.constant 1024 : i32
    %dma_wait3A_243 = tpu.memref_slice %arg7[%dma_wait3A_242] : memref<4096xf32, #tpu.memory_space<vmem>> -> memref<1024xf32, #tpu.memory_space<vmem>>
    %dma_wait3A_244 = arith.constant 1024 : i32
    %dma_wait3A_245 = tpu.memref_slice %arg4[%add3A, %dma_wait3A_244] : memref<32x4096xf32, #tpu.memory_space<hbm>> -> memref<1x1024xf32, #tpu.memory_space<hbm>>
    %dma_wait3A_246 = tpu.memref_squeeze %dma_wait3A_245 : memref<1x1024xf32, #tpu.memory_space<hbm>> -> memref<1024xf32, #tpu.memory_space<hbm>>
    tpu.wait_dma2 semaphore(%dma_wait3A_241 : memref<!tpu.dma_semaphore, #tpu.memory_space<semaphore_mem>>) src(%dma_wait3A_246 : memref<1024xf32, #tpu.memory_space<hbm>>) dst(%dma_wait3A_243 : memref<1024xf32, #tpu.memory_space<vmem>>)
    %dma_wait3A_247 = arith.constant 1 : i32
    %dma_wait3A_248 = arith.constant 128 : i32
    %dma_wait3A_249 = arith.constant 0 : i32
    %dma_wait3A_250 = tpu.memref_slice %arg8[%dma_wait3A_248, %dma_wait3A_249] : memref<512x128xf32, #tpu.memory_space<vmem>> -> memref<128x128xf32, #tpu.memory_space<vmem>>
    %dma_wait3A_251 = arith.constant 0 : i32
    %dma_wait3A_252 = tpu.memref_slice %arg2[%add3A_70, %dma_wait3A_251] : memref<16384x128xf32, #tpu.memory_space<hbm>> -> memref<128x128xf32, #tpu.memory_space<hbm>>
    %dma_wait3A_253 = tpu.memref_slice %arg9[%dma_wait3A_247] : memref<4x!tpu.dma_semaphore, #tpu.memory_space<semaphore_mem>> -> memref<1x!tpu.dma_semaphore, #tpu.memory_space<semaphore_mem>>
    %dma_wait3A_254 = tpu.memref_squeeze %dma_wait3A_253 : memref<1x!tpu.dma_semaphore, #tpu.memory_space<semaphore_mem>> -> memref<!tpu.dma_semaphore, #tpu.memory_space<semaphore_mem>>
    %dma_wait3A_255 = arith.constant 128 : i32
    %dma_wait3A_256 = arith.constant 0 : i32
    %dma_wait3A_257 = tpu.memref_slice %arg8[%dma_wait3A_255, %dma_wait3A_256] : memref<512x128xf32, #tpu.memory_space<vmem>> -> memref<128x128xf32, #tpu.memory_space<vmem>>
    %dma_wait3A_258 = arith.constant 0 : i32
    %dma_wait3A_259 = tpu.memref_slice %arg2[%add3A_70, %dma_wait3A_258] : memref<16384x128xf32, #tpu.memory_space<hbm>> -> memref<128x128xf32, #tpu.memory_space<hbm>>
    tpu.wait_dma2 semaphore(%dma_wait3A_254 : memref<!tpu.dma_semaphore, #tpu.memory_space<semaphore_mem>>) src(%dma_wait3A_259 : memref<128x128xf32, #tpu.memory_space<hbm>>) dst(%dma_wait3A_257 : memref<128x128xf32, #tpu.memory_space<vmem>>)
    %scan3A_260 = arith.constant 0 : i32
    %scan3A_261 = arith.constant 0 : i32
    %scan3A_262 = arith.constant 8 : i32
    %scan3A_263 = arith.addi %scan3A_261, %scan3A_262 : i32
    %scan3A_264 = arith.constant 1 : i32
    scf.for %scan3A_432 = %scan3A_261 to %scan3A_263 step %scan3A_264  : i32 {
      %mul3A_433 = arith.constant 16 : i32
      %mul3A_434 = arith.muli %scan3A_432, %mul3A_433 : i32
      %add3A_435 = arith.constant 128 : i32
      %add3A_436 = arith.addi %add3A_435, %mul3A_434 : i32
      %add3A_437 = vector.broadcast %add3A_436 : i32 to vector<16xi32>
      %add3A_438 = arith.addi %add3A_437, %iota3A : vector<16xi32>
      %mul3A_439 = arith.constant 16 : i32
      %mul3A_440 = arith.muli %scan3A_432, %mul3A_439 : i32
      %add3A_441 = arith.constant 1024 : i32
      %add3A_442 = arith.addi %add3A_441, %mul3A_440 : i32
      %get3A = arith.index_cast %add3A_442 : i32 to index
      %get3A_443 = tpu.vector_load %arg6[%get3A] {strides = array<i32>} : memref<4096xi32, #tpu.memory_space<vmem>>, vector<16xi32>,
      %get3A_444 = arith.index_cast %add3A_442 : i32 to index
      %get3A_445 = tpu.vector_load %arg7[%get3A_444] {strides = array<i32>} : memref<4096xf32, #tpu.memory_space<vmem>>, vector<16xf32>,
      %gather3A = tpu.vector_load_idx %arg8[%add3A_438, %get3A_443] : memref<512x128xf32, #tpu.memory_space<vmem>>[vector<16xi32>, vector<16xi32>], vector<16xf32>,
      %add3A_446 = arith.addf %gather3A, %get3A_445 : vector<16xf32>
      %mul3A_447 = arith.constant 16 : i32
      %mul3A_448 = arith.muli %scan3A_432, %mul3A_447 : i32
      %add3A_449 = arith.constant 1152 : i32
      %add3A_450 = arith.addi %add3A_449, %mul3A_448 : i32
      %get3A_451 = arith.index_cast %add3A_450 : i32 to index
      %get3A_452 = tpu.vector_load %arg6[%get3A_451] {strides = array<i32>} : memref<4096xi32, #tpu.memory_space<vmem>>, vector<16xi32>,
      %get3A_453 = arith.index_cast %add3A_450 : i32 to index
      %get3A_454 = tpu.vector_load %arg7[%get3A_453] {strides = array<i32>} : memref<4096xf32, #tpu.memory_space<vmem>>, vector<16xf32>,
      %gather3A_455 = tpu.vector_load_idx %arg8[%add3A_438, %get3A_452] : memref<512x128xf32, #tpu.memory_space<vmem>>[vector<16xi32>, vector<16xi32>], vector<16xf32>,
      %add3A_456 = arith.addf %gather3A_455, %get3A_454 : vector<16xf32>
      %mul3A_457 = arith.constant 16 : i32
      %mul3A_458 = arith.muli %scan3A_432, %mul3A_457 : i32
      %add3A_459 = arith.constant 1280 : i32
      %add3A_460 = arith.addi %add3A_459, %mul3A_458 : i32
      %get3A_461 = arith.index_cast %add3A_460 : i32 to index
      %get3A_462 = tpu.vector_load %arg6[%get3A_461] {strides = array<i32>} : memref<4096xi32, #tpu.memory_space<vmem>>, vector<16xi32>,
      %get3A_463 = arith.index_cast %add3A_460 : i32 to index
      %get3A_464 = tpu.vector_load %arg7[%get3A_463] {strides = array<i32>} : memref<4096xf32, #tpu.memory_space<vmem>>, vector<16xf32>,
      %gather3A_465 = tpu.vector_load_idx %arg8[%add3A_438, %get3A_462] : memref<512x128xf32, #tpu.memory_space<vmem>>[vector<16xi32>, vector<16xi32>], vector<16xf32>,
      %add3A_466 = arith.addf %gather3A_465, %get3A_464 : vector<16xf32>
      %mul3A_467 = arith.constant 16 : i32
      %mul3A_468 = arith.muli %scan3A_432, %mul3A_467 : i32
      %add3A_469 = arith.constant 1408 : i32
      %add3A_470 = arith.addi %add3A_469, %mul3A_468 : i32
      %get3A_471 = arith.index_cast %add3A_470 : i32 to index
      %get3A_472 = tpu.vector_load %arg6[%get3A_471] {strides = array<i32>} : memref<4096xi32, #tpu.memory_space<vmem>>, vector<16xi32>,
      %get3A_473 = arith.index_cast %add3A_470 : i32 to index
      %get3A_474 = tpu.vector_load %arg7[%get3A_473] {strides = array<i32>} : memref<4096xf32, #tpu.memory_space<vmem>>, vector<16xf32>,
      %gather3A_475 = tpu.vector_load_idx %arg8[%add3A_438, %get3A_472] : memref<512x128xf32, #tpu.memory_space<vmem>>[vector<16xi32>, vector<16xi32>], vector<16xf32>,
      %add3A_476 = arith.addf %gather3A_475, %get3A_474 : vector<16xf32>
      %mul3A_477 = arith.constant 16 : i32
      %mul3A_478 = arith.muli %scan3A_432, %mul3A_477 : i32
      %add3A_479 = arith.constant 1536 : i32
      %add3A_480 = arith.addi %add3A_479, %mul3A_478 : i32
      %get3A_481 = arith.index_cast %add3A_480 : i32 to index
      %get3A_482 = tpu.vector_load %arg6[%get3A_481] {strides = array<i32>} : memref<4096xi32, #tpu.memory_space<vmem>>, vector<16xi32>,
      %get3A_483 = arith.index_cast %add3A_480 : i32 to index
      %get3A_484 = tpu.vector_load %arg7[%get3A_483] {strides = array<i32>} : memref<4096xf32, #tpu.memory_space<vmem>>, vector<16xf32>,
      %gather3A_485 = tpu.vector_load_idx %arg8[%add3A_438, %get3A_482] : memref<512x128xf32, #tpu.memory_space<vmem>>[vector<16xi32>, vector<16xi32>], vector<16xf32>,
      %add3A_486 = arith.addf %gather3A_485, %get3A_484 : vector<16xf32>
      %mul3A_487 = arith.constant 16 : i32
      %mul3A_488 = arith.muli %scan3A_432, %mul3A_487 : i32
      %add3A_489 = arith.constant 1664 : i32
      %add3A_490 = arith.addi %add3A_489, %mul3A_488 : i32
      %get3A_491 = arith.index_cast %add3A_490 : i32 to index
      %get3A_492 = tpu.vector_load %arg6[%get3A_491] {strides = array<i32>} : memref<4096xi32, #tpu.memory_space<vmem>>, vector<16xi32>,
      %get3A_493 = arith.index_cast %add3A_490 : i32 to index
      %get3A_494 = tpu.vector_load %arg7[%get3A_493] {strides = array<i32>} : memref<4096xf32, #tpu.memory_space<vmem>>, vector<16xf32>,
      %gather3A_495 = tpu.vector_load_idx %arg8[%add3A_438, %get3A_492] : memref<512x128xf32, #tpu.memory_space<vmem>>[vector<16xi32>, vector<16xi32>], vector<16xf32>,
      %add3A_496 = arith.addf %gather3A_495, %get3A_494 : vector<16xf32>
      %mul3A_497 = arith.constant 16 : i32
      %mul3A_498 = arith.muli %scan3A_432, %mul3A_497 : i32
      %add3A_499 = arith.constant 1792 : i32
      %add3A_500 = arith.addi %add3A_499, %mul3A_498 : i32
      %get3A_501 = arith.index_cast %add3A_500 : i32 to index
      %get3A_502 = tpu.vector_load %arg6[%get3A_501] {strides = array<i32>} : memref<4096xi32, #tpu.memory_space<vmem>>, vector<16xi32>,
      %get3A_503 = arith.index_cast %add3A_500 : i32 to index
      %get3A_504 = tpu.vector_load %arg7[%get3A_503] {strides = array<i32>} : memref<4096xf32, #tpu.memory_space<vmem>>, vector<16xf32>,
      %gather3A_505 = tpu.vector_load_idx %arg8[%add3A_438, %get3A_502] : memref<512x128xf32, #tpu.memory_space<vmem>>[vector<16xi32>, vector<16xi32>], vector<16xf32>,
      %add3A_506 = arith.addf %gather3A_505, %get3A_504 : vector<16xf32>
      %mul3A_507 = arith.constant 16 : i32
      %mul3A_508 = arith.muli %scan3A_432, %mul3A_507 : i32
      %add3A_509 = arith.constant 1920 : i32
      %add3A_510 = arith.addi %add3A_509, %mul3A_508 : i32
      %get3A_511 = arith.index_cast %add3A_510 : i32 to index
      %get3A_512 = tpu.vector_load %arg6[%get3A_511] {strides = array<i32>} : memref<4096xi32, #tpu.memory_space<vmem>>, vector<16xi32>,
      %get3A_513 = arith.index_cast %add3A_510 : i32 to index
      %get3A_514 = tpu.vector_load %arg7[%get3A_513] {strides = array<i32>} : memref<4096xf32, #tpu.memory_space<vmem>>, vector<16xf32>,
      %gather3A_515 = tpu.vector_load_idx %arg8[%add3A_438, %get3A_512] : memref<512x128xf32, #tpu.memory_space<vmem>>[vector<16xi32>, vector<16xi32>], vector<16xf32>,
      %add3A_516 = arith.addf %gather3A_515, %get3A_514 : vector<16xf32>
      tpu.vector_store_idx %arg8[%add3A_438, %get3A_443], %add3A_446 : memref<512x128xf32, #tpu.memory_space<vmem>>[vector<16xi32>, vector<16xi32>], vector<16xf32>,
      tpu.vector_store_idx %arg8[%add3A_438, %get3A_452], %add3A_456 : memref<512x128xf32, #tpu.memory_space<vmem>>[vector<16xi32>, vector<16xi32>], vector<16xf32>,
      tpu.vector_store_idx %arg8[%add3A_438, %get3A_462], %add3A_466 : memref<512x128xf32, #tpu.memory_space<vmem>>[vector<16xi32>, vector<16xi32>], vector<16xf32>,
      tpu.vector_store_idx %arg8[%add3A_438, %get3A_472], %add3A_476 : memref<512x128xf32, #tpu.memory_space<vmem>>[vector<16xi32>, vector<16xi32>], vector<16xf32>,
      tpu.vector_store_idx %arg8[%add3A_438, %get3A_482], %add3A_486 : memref<512x128xf32, #tpu.memory_space<vmem>>[vector<16xi32>, vector<16xi32>], vector<16xf32>,
      tpu.vector_store_idx %arg8[%add3A_438, %get3A_492], %add3A_496 : memref<512x128xf32, #tpu.memory_space<vmem>>[vector<16xi32>, vector<16xi32>], vector<16xf32>,
      tpu.vector_store_idx %arg8[%add3A_438, %get3A_502], %add3A_506 : memref<512x128xf32, #tpu.memory_space<vmem>>[vector<16xi32>, vector<16xi32>], vector<16xf32>,
      tpu.vector_store_idx %arg8[%add3A_438, %get3A_512], %add3A_516 : memref<512x128xf32, #tpu.memory_space<vmem>>[vector<16xi32>, vector<16xi32>], vector<16xf32>,
    }
    %scan3A_265 = arith.constant 8 : i32
    %add3A_266 = arith.constant 128 : i32
    %add3A_267 = arith.addi %mul3A_2, %add3A_266 : i32
    %dma_start3A_268 = arith.constant 128 : i32
    %dma_start3A_269 = arith.constant 0 : i32
    %dma_start3A_270 = tpu.memref_slice %arg8[%dma_start3A_268, %dma_start3A_269] : memref<512x128xf32, #tpu.memory_space<vmem>> -> memref<128x128xf32, #tpu.memory_space<vmem>>
    %dma_start3A_271 = arith.constant 0 : i32
    %dma_start3A_272 = tpu.memref_slice %arg5[%add3A_267, %dma_start3A_271] : memref<16384x128xf32, #tpu.memory_space<hbm>> -> memref<128x128xf32, #tpu.memory_space<hbm>>
    %dma_start3A_273 = arith.constant 0 : i32
    %dma_start3A_274 = tpu.memref_slice %arg5[%add3A_267, %dma_start3A_273] : memref<16384x128xf32, #tpu.memory_space<hbm>> -> memref<128x128xf32, #tpu.memory_space<hbm>>
    %dma_start3A_275 = arith.constant 128 : i32
    %dma_start3A_276 = arith.constant 0 : i32
    %dma_start3A_277 = tpu.memref_slice %arg8[%dma_start3A_275, %dma_start3A_276] : memref<512x128xf32, #tpu.memory_space<vmem>> -> memref<128x128xf32, #tpu.memory_space<vmem>>
    tpu.enqueue_dma source(%dma_start3A_277 : memref<128x128xf32, #tpu.memory_space<vmem>>) target(%dma_start3A_274 : memref<128x128xf32, #tpu.memory_space<hbm>>) target_semaphore(%arg10 : memref<!tpu.dma_semaphore, #tpu.memory_space<semaphore_mem>>)
    %dma_wait3A_278 = arith.constant 2 : i32
    %dma_wait3A_279 = arith.constant 2048 : i32
    %dma_wait3A_280 = tpu.memref_slice %arg6[%dma_wait3A_279] : memref<4096xi32, #tpu.memory_space<vmem>> -> memref<1024xi32, #tpu.memory_space<vmem>>
    %dma_wait3A_281 = arith.constant 2048 : i32
    %dma_wait3A_282 = tpu.memref_slice %arg3[%add3A, %dma_wait3A_281] : memref<32x4096xi32, #tpu.memory_space<hbm>> -> memref<1x1024xi32, #tpu.memory_space<hbm>>
    %dma_wait3A_283 = tpu.memref_squeeze %dma_wait3A_282 : memref<1x1024xi32, #tpu.memory_space<hbm>> -> memref<1024xi32, #tpu.memory_space<hbm>>
    %dma_wait3A_284 = tpu.memref_slice %arg9[%dma_wait3A_278] : memref<4x!tpu.dma_semaphore, #tpu.memory_space<semaphore_mem>> -> memref<1x!tpu.dma_semaphore, #tpu.memory_space<semaphore_mem>>
    %dma_wait3A_285 = tpu.memref_squeeze %dma_wait3A_284 : memref<1x!tpu.dma_semaphore, #tpu.memory_space<semaphore_mem>> -> memref<!tpu.dma_semaphore, #tpu.memory_space<semaphore_mem>>
    %dma_wait3A_286 = arith.constant 2048 : i32
    %dma_wait3A_287 = tpu.memref_slice %arg6[%dma_wait3A_286] : memref<4096xi32, #tpu.memory_space<vmem>> -> memref<1024xi32, #tpu.memory_space<vmem>>
    %dma_wait3A_288 = arith.constant 2048 : i32
    %dma_wait3A_289 = tpu.memref_slice %arg3[%add3A, %dma_wait3A_288] : memref<32x4096xi32, #tpu.memory_space<hbm>> -> memref<1x1024xi32, #tpu.memory_space<hbm>>
    %dma_wait3A_290 = tpu.memref_squeeze %dma_wait3A_289 : memref<1x1024xi32, #tpu.memory_space<hbm>> -> memref<1024xi32, #tpu.memory_space<hbm>>
    tpu.wait_dma2 semaphore(%dma_wait3A_285 : memref<!tpu.dma_semaphore, #tpu.memory_space<semaphore_mem>>) src(%dma_wait3A_290 : memref<1024xi32, #tpu.memory_space<hbm>>) dst(%dma_wait3A_287 : memref<1024xi32, #tpu.memory_space<vmem>>)
    %dma_wait3A_291 = arith.constant 2 : i32
    %dma_wait3A_292 = arith.constant 2048 : i32
    %dma_wait3A_293 = tpu.memref_slice %arg7[%dma_wait3A_292] : memref<4096xf32, #tpu.memory_space<vmem>> -> memref<1024xf32, #tpu.memory_space<vmem>>
    %dma_wait3A_294 = arith.constant 2048 : i32
    %dma_wait3A_295 = tpu.memref_slice %arg4[%add3A, %dma_wait3A_294] : memref<32x4096xf32, #tpu.memory_space<hbm>> -> memref<1x1024xf32, #tpu.memory_space<hbm>>
    %dma_wait3A_296 = tpu.memref_squeeze %dma_wait3A_295 : memref<1x1024xf32, #tpu.memory_space<hbm>> -> memref<1024xf32, #tpu.memory_space<hbm>>
    %dma_wait3A_297 = tpu.memref_slice %arg9[%dma_wait3A_291] : memref<4x!tpu.dma_semaphore, #tpu.memory_space<semaphore_mem>> -> memref<1x!tpu.dma_semaphore, #tpu.memory_space<semaphore_mem>>
    %dma_wait3A_298 = tpu.memref_squeeze %dma_wait3A_297 : memref<1x!tpu.dma_semaphore, #tpu.memory_space<semaphore_mem>> -> memref<!tpu.dma_semaphore, #tpu.memory_space<semaphore_mem>>
    %dma_wait3A_299 = arith.constant 2048 : i32
    %dma_wait3A_300 = tpu.memref_slice %arg7[%dma_wait3A_299] : memref<4096xf32, #tpu.memory_space<vmem>> -> memref<1024xf32, #tpu.memory_space<vmem>>
    %dma_wait3A_301 = arith.constant 2048 : i32
    %dma_wait3A_302 = tpu.memref_slice %arg4[%add3A, %dma_wait3A_301] : memref<32x4096xf32, #tpu.memory_space<hbm>> -> memref<1x1024xf32, #tpu.memory_space<hbm>>
    %dma_wait3A_303 = tpu.memref_squeeze %dma_wait3A_302 : memref<1x1024xf32, #tpu.memory_space<hbm>> -> memref<1024xf32, #tpu.memory_space<hbm>>
    tpu.wait_dma2 semaphore(%dma_wait3A_298 : memref<!tpu.dma_semaphore, #tpu.memory_space<semaphore_mem>>) src(%dma_wait3A_303 : memref<1024xf32, #tpu.memory_space<hbm>>) dst(%dma_wait3A_300 : memref<1024xf32, #tpu.memory_space<vmem>>)
    %dma_wait3A_304 = arith.constant 2 : i32
    %dma_wait3A_305 = arith.constant 256 : i32
    %dma_wait3A_306 = arith.constant 0 : i32
    %dma_wait3A_307 = tpu.memref_slice %arg8[%dma_wait3A_305, %dma_wait3A_306] : memref<512x128xf32, #tpu.memory_space<vmem>> -> memref<128x128xf32, #tpu.memory_space<vmem>>
    %dma_wait3A_308 = arith.constant 0 : i32
    %dma_wait3A_309 = tpu.memref_slice %arg2[%add3A_111, %dma_wait3A_308] : memref<16384x128xf32, #tpu.memory_space<hbm>> -> memref<128x128xf32, #tpu.memory_space<hbm>>
    %dma_wait3A_310 = tpu.memref_slice %arg9[%dma_wait3A_304] : memref<4x!tpu.dma_semaphore, #tpu.memory_space<semaphore_mem>> -> memref<1x!tpu.dma_semaphore, #tpu.memory_space<semaphore_mem>>
    %dma_wait3A_311 = tpu.memref_squeeze %dma_wait3A_310 : memref<1x!tpu.dma_semaphore, #tpu.memory_space<semaphore_mem>> -> memref<!tpu.dma_semaphore, #tpu.memory_space<semaphore_mem>>
    %dma_wait3A_312 = arith.constant 256 : i32
    %dma_wait3A_313 = arith.constant 0 : i32
    %dma_wait3A_314 = tpu.memref_slice %arg8[%dma_wait3A_312, %dma_wait3A_313] : memref<512x128xf32, #tpu.memory_space<vmem>> -> memref<128x128xf32, #tpu.memory_space<vmem>>
    %dma_wait3A_315 = arith.constant 0 : i32
    %dma_wait3A_316 = tpu.memref_slice %arg2[%add3A_111, %dma_wait3A_315] : memref<16384x128xf32, #tpu.memory_space<hbm>> -> memref<128x128xf32, #tpu.memory_space<hbm>>
    tpu.wait_dma2 semaphore(%dma_wait3A_311 : memref<!tpu.dma_semaphore, #tpu.memory_space<semaphore_mem>>) src(%dma_wait3A_316 : memref<128x128xf32, #tpu.memory_space<hbm>>) dst(%dma_wait3A_314 : memref<128x128xf32, #tpu.memory_space<vmem>>)
    %scan3A_317 = arith.constant 0 : i32
    %scan3A_318 = arith.constant 0 : i32
    %scan3A_319 = arith.constant 8 : i32
    %scan3A_320 = arith.addi %scan3A_318, %scan3A_319 : i32
    %scan3A_321 = arith.constant 1 : i32
    scf.for %scan3A_432 = %scan3A_318 to %scan3A_320 step %scan3A_321  : i32 {
      %mul3A_433 = arith.constant 16 : i32
      %mul3A_434 = arith.muli %scan3A_432, %mul3A_433 : i32
      %add3A_435 = arith.constant 256 : i32
      %add3A_436 = arith.addi %add3A_435, %mul3A_434 : i32
      %add3A_437 = vector.broadcast %add3A_436 : i32 to vector<16xi32>
      %add3A_438 = arith.addi %add3A_437, %iota3A : vector<16xi32>
      %mul3A_439 = arith.constant 16 : i32
      %mul3A_440 = arith.muli %scan3A_432, %mul3A_439 : i32
      %add3A_441 = arith.constant 2048 : i32
      %add3A_442 = arith.addi %add3A_441, %mul3A_440 : i32
      %get3A = arith.index_cast %add3A_442 : i32 to index
      %get3A_443 = tpu.vector_load %arg6[%get3A] {strides = array<i32>} : memref<4096xi32, #tpu.memory_space<vmem>>, vector<16xi32>,
      %get3A_444 = arith.index_cast %add3A_442 : i32 to index
      %get3A_445 = tpu.vector_load %arg7[%get3A_444] {strides = array<i32>} : memref<4096xf32, #tpu.memory_space<vmem>>, vector<16xf32>,
      %gather3A = tpu.vector_load_idx %arg8[%add3A_438, %get3A_443] : memref<512x128xf32, #tpu.memory_space<vmem>>[vector<16xi32>, vector<16xi32>], vector<16xf32>,
      %add3A_446 = arith.addf %gather3A, %get3A_445 : vector<16xf32>
      %mul3A_447 = arith.constant 16 : i32
      %mul3A_448 = arith.muli %scan3A_432, %mul3A_447 : i32
      %add3A_449 = arith.constant 2176 : i32
      %add3A_450 = arith.addi %add3A_449, %mul3A_448 : i32
      %get3A_451 = arith.index_cast %add3A_450 : i32 to index
      %get3A_452 = tpu.vector_load %arg6[%get3A_451] {strides = array<i32>} : memref<4096xi32, #tpu.memory_space<vmem>>, vector<16xi32>,
      %get3A_453 = arith.index_cast %add3A_450 : i32 to index
      %get3A_454 = tpu.vector_load %arg7[%get3A_453] {strides = array<i32>} : memref<4096xf32, #tpu.memory_space<vmem>>, vector<16xf32>,
      %gather3A_455 = tpu.vector_load_idx %arg8[%add3A_438, %get3A_452] : memref<512x128xf32, #tpu.memory_space<vmem>>[vector<16xi32>, vector<16xi32>], vector<16xf32>,
      %add3A_456 = arith.addf %gather3A_455, %get3A_454 : vector<16xf32>
      %mul3A_457 = arith.constant 16 : i32
      %mul3A_458 = arith.muli %scan3A_432, %mul3A_457 : i32
      %add3A_459 = arith.constant 2304 : i32
      %add3A_460 = arith.addi %add3A_459, %mul3A_458 : i32
      %get3A_461 = arith.index_cast %add3A_460 : i32 to index
      %get3A_462 = tpu.vector_load %arg6[%get3A_461] {strides = array<i32>} : memref<4096xi32, #tpu.memory_space<vmem>>, vector<16xi32>,
      %get3A_463 = arith.index_cast %add3A_460 : i32 to index
      %get3A_464 = tpu.vector_load %arg7[%get3A_463] {strides = array<i32>} : memref<4096xf32, #tpu.memory_space<vmem>>, vector<16xf32>,
      %gather3A_465 = tpu.vector_load_idx %arg8[%add3A_438, %get3A_462] : memref<512x128xf32, #tpu.memory_space<vmem>>[vector<16xi32>, vector<16xi32>], vector<16xf32>,
      %add3A_466 = arith.addf %gather3A_465, %get3A_464 : vector<16xf32>
      %mul3A_467 = arith.constant 16 : i32
      %mul3A_468 = arith.muli %scan3A_432, %mul3A_467 : i32
      %add3A_469 = arith.constant 2432 : i32
      %add3A_470 = arith.addi %add3A_469, %mul3A_468 : i32
      %get3A_471 = arith.index_cast %add3A_470 : i32 to index
      %get3A_472 = tpu.vector_load %arg6[%get3A_471] {strides = array<i32>} : memref<4096xi32, #tpu.memory_space<vmem>>, vector<16xi32>,
      %get3A_473 = arith.index_cast %add3A_470 : i32 to index
      %get3A_474 = tpu.vector_load %arg7[%get3A_473] {strides = array<i32>} : memref<4096xf32, #tpu.memory_space<vmem>>, vector<16xf32>,
      %gather3A_475 = tpu.vector_load_idx %arg8[%add3A_438, %get3A_472] : memref<512x128xf32, #tpu.memory_space<vmem>>[vector<16xi32>, vector<16xi32>], vector<16xf32>,
      %add3A_476 = arith.addf %gather3A_475, %get3A_474 : vector<16xf32>
      %mul3A_477 = arith.constant 16 : i32
      %mul3A_478 = arith.muli %scan3A_432, %mul3A_477 : i32
      %add3A_479 = arith.constant 2560 : i32
      %add3A_480 = arith.addi %add3A_479, %mul3A_478 : i32
      %get3A_481 = arith.index_cast %add3A_480 : i32 to index
      %get3A_482 = tpu.vector_load %arg6[%get3A_481] {strides = array<i32>} : memref<4096xi32, #tpu.memory_space<vmem>>, vector<16xi32>,
      %get3A_483 = arith.index_cast %add3A_480 : i32 to index
      %get3A_484 = tpu.vector_load %arg7[%get3A_483] {strides = array<i32>} : memref<4096xf32, #tpu.memory_space<vmem>>, vector<16xf32>,
      %gather3A_485 = tpu.vector_load_idx %arg8[%add3A_438, %get3A_482] : memref<512x128xf32, #tpu.memory_space<vmem>>[vector<16xi32>, vector<16xi32>], vector<16xf32>,
      %add3A_486 = arith.addf %gather3A_485, %get3A_484 : vector<16xf32>
      %mul3A_487 = arith.constant 16 : i32
      %mul3A_488 = arith.muli %scan3A_432, %mul3A_487 : i32
      %add3A_489 = arith.constant 2688 : i32
      %add3A_490 = arith.addi %add3A_489, %mul3A_488 : i32
      %get3A_491 = arith.index_cast %add3A_490 : i32 to index
      %get3A_492 = tpu.vector_load %arg6[%get3A_491] {strides = array<i32>} : memref<4096xi32, #tpu.memory_space<vmem>>, vector<16xi32>,
      %get3A_493 = arith.index_cast %add3A_490 : i32 to index
      %get3A_494 = tpu.vector_load %arg7[%get3A_493] {strides = array<i32>} : memref<4096xf32, #tpu.memory_space<vmem>>, vector<16xf32>,
      %gather3A_495 = tpu.vector_load_idx %arg8[%add3A_438, %get3A_492] : memref<512x128xf32, #tpu.memory_space<vmem>>[vector<16xi32>, vector<16xi32>], vector<16xf32>,
      %add3A_496 = arith.addf %gather3A_495, %get3A_494 : vector<16xf32>
      %mul3A_497 = arith.constant 16 : i32
      %mul3A_498 = arith.muli %scan3A_432, %mul3A_497 : i32
      %add3A_499 = arith.constant 2816 : i32
      %add3A_500 = arith.addi %add3A_499, %mul3A_498 : i32
      %get3A_501 = arith.index_cast %add3A_500 : i32 to index
      %get3A_502 = tpu.vector_load %arg6[%get3A_501] {strides = array<i32>} : memref<4096xi32, #tpu.memory_space<vmem>>, vector<16xi32>,
      %get3A_503 = arith.index_cast %add3A_500 : i32 to index
      %get3A_504 = tpu.vector_load %arg7[%get3A_503] {strides = array<i32>} : memref<4096xf32, #tpu.memory_space<vmem>>, vector<16xf32>,
      %gather3A_505 = tpu.vector_load_idx %arg8[%add3A_438, %get3A_502] : memref<512x128xf32, #tpu.memory_space<vmem>>[vector<16xi32>, vector<16xi32>], vector<16xf32>,
      %add3A_506 = arith.addf %gather3A_505, %get3A_504 : vector<16xf32>
      %mul3A_507 = arith.constant 16 : i32
      %mul3A_508 = arith.muli %scan3A_432, %mul3A_507 : i32
      %add3A_509 = arith.constant 2944 : i32
      %add3A_510 = arith.addi %add3A_509, %mul3A_508 : i32
      %get3A_511 = arith.index_cast %add3A_510 : i32 to index
      %get3A_512 = tpu.vector_load %arg6[%get3A_511] {strides = array<i32>} : memref<4096xi32, #tpu.memory_space<vmem>>, vector<16xi32>,
      %get3A_513 = arith.index_cast %add3A_510 : i32 to index
      %get3A_514 = tpu.vector_load %arg7[%get3A_513] {strides = array<i32>} : memref<4096xf32, #tpu.memory_space<vmem>>, vector<16xf32>,
      %gather3A_515 = tpu.vector_load_idx %arg8[%add3A_438, %get3A_512] : memref<512x128xf32, #tpu.memory_space<vmem>>[vector<16xi32>, vector<16xi32>], vector<16xf32>,
      %add3A_516 = arith.addf %gather3A_515, %get3A_514 : vector<16xf32>
      tpu.vector_store_idx %arg8[%add3A_438, %get3A_443], %add3A_446 : memref<512x128xf32, #tpu.memory_space<vmem>>[vector<16xi32>, vector<16xi32>], vector<16xf32>,
      tpu.vector_store_idx %arg8[%add3A_438, %get3A_452], %add3A_456 : memref<512x128xf32, #tpu.memory_space<vmem>>[vector<16xi32>, vector<16xi32>], vector<16xf32>,
      tpu.vector_store_idx %arg8[%add3A_438, %get3A_462], %add3A_466 : memref<512x128xf32, #tpu.memory_space<vmem>>[vector<16xi32>, vector<16xi32>], vector<16xf32>,
      tpu.vector_store_idx %arg8[%add3A_438, %get3A_472], %add3A_476 : memref<512x128xf32, #tpu.memory_space<vmem>>[vector<16xi32>, vector<16xi32>], vector<16xf32>,
      tpu.vector_store_idx %arg8[%add3A_438, %get3A_482], %add3A_486 : memref<512x128xf32, #tpu.memory_space<vmem>>[vector<16xi32>, vector<16xi32>], vector<16xf32>,
      tpu.vector_store_idx %arg8[%add3A_438, %get3A_492], %add3A_496 : memref<512x128xf32, #tpu.memory_space<vmem>>[vector<16xi32>, vector<16xi32>], vector<16xf32>,
      tpu.vector_store_idx %arg8[%add3A_438, %get3A_502], %add3A_506 : memref<512x128xf32, #tpu.memory_space<vmem>>[vector<16xi32>, vector<16xi32>], vector<16xf32>,
      tpu.vector_store_idx %arg8[%add3A_438, %get3A_512], %add3A_516 : memref<512x128xf32, #tpu.memory_space<vmem>>[vector<16xi32>, vector<16xi32>], vector<16xf32>,
    }
    %scan3A_322 = arith.constant 8 : i32
    %add3A_323 = arith.constant 256 : i32
    %add3A_324 = arith.addi %mul3A_2, %add3A_323 : i32
    %dma_start3A_325 = arith.constant 256 : i32
    %dma_start3A_326 = arith.constant 0 : i32
    %dma_start3A_327 = tpu.memref_slice %arg8[%dma_start3A_325, %dma_start3A_326] : memref<512x128xf32, #tpu.memory_space<vmem>> -> memref<128x128xf32, #tpu.memory_space<vmem>>
    %dma_start3A_328 = arith.constant 0 : i32
    %dma_start3A_329 = tpu.memref_slice %arg5[%add3A_324, %dma_start3A_328] : memref<16384x128xf32, #tpu.memory_space<hbm>> -> memref<128x128xf32, #tpu.memory_space<hbm>>
    %dma_start3A_330 = arith.constant 0 : i32
    %dma_start3A_331 = tpu.memref_slice %arg5[%add3A_324, %dma_start3A_330] : memref<16384x128xf32, #tpu.memory_space<hbm>> -> memref<128x128xf32, #tpu.memory_space<hbm>>
    %dma_start3A_332 = arith.constant 256 : i32
    %dma_start3A_333 = arith.constant 0 : i32
    %dma_start3A_334 = tpu.memref_slice %arg8[%dma_start3A_332, %dma_start3A_333] : memref<512x128xf32, #tpu.memory_space<vmem>> -> memref<128x128xf32, #tpu.memory_space<vmem>>
    tpu.enqueue_dma source(%dma_start3A_334 : memref<128x128xf32, #tpu.memory_space<vmem>>) target(%dma_start3A_331 : memref<128x128xf32, #tpu.memory_space<hbm>>) target_semaphore(%arg10 : memref<!tpu.dma_semaphore, #tpu.memory_space<semaphore_mem>>)
    %dma_wait3A_335 = arith.constant 3 : i32
    %dma_wait3A_336 = arith.constant 3072 : i32
    %dma_wait3A_337 = tpu.memref_slice %arg6[%dma_wait3A_336] : memref<4096xi32, #tpu.memory_space<vmem>> -> memref<1024xi32, #tpu.memory_space<vmem>>
    %dma_wait3A_338 = arith.constant 3072 : i32
    %dma_wait3A_339 = tpu.memref_slice %arg3[%add3A, %dma_wait3A_338] : memref<32x4096xi32, #tpu.memory_space<hbm>> -> memref<1x1024xi32, #tpu.memory_space<hbm>>
    %dma_wait3A_340 = tpu.memref_squeeze %dma_wait3A_339 : memref<1x1024xi32, #tpu.memory_space<hbm>> -> memref<1024xi32, #tpu.memory_space<hbm>>
    %dma_wait3A_341 = tpu.memref_slice %arg9[%dma_wait3A_335] : memref<4x!tpu.dma_semaphore, #tpu.memory_space<semaphore_mem>> -> memref<1x!tpu.dma_semaphore, #tpu.memory_space<semaphore_mem>>
    %dma_wait3A_342 = tpu.memref_squeeze %dma_wait3A_341 : memref<1x!tpu.dma_semaphore, #tpu.memory_space<semaphore_mem>> -> memref<!tpu.dma_semaphore, #tpu.memory_space<semaphore_mem>>
    %dma_wait3A_343 = arith.constant 3072 : i32
    %dma_wait3A_344 = tpu.memref_slice %arg6[%dma_wait3A_343] : memref<4096xi32, #tpu.memory_space<vmem>> -> memref<1024xi32, #tpu.memory_space<vmem>>
    %dma_wait3A_345 = arith.constant 3072 : i32
    %dma_wait3A_346 = tpu.memref_slice %arg3[%add3A, %dma_wait3A_345] : memref<32x4096xi32, #tpu.memory_space<hbm>> -> memref<1x1024xi32, #tpu.memory_space<hbm>>
    %dma_wait3A_347 = tpu.memref_squeeze %dma_wait3A_346 : memref<1x1024xi32, #tpu.memory_space<hbm>> -> memref<1024xi32, #tpu.memory_space<hbm>>
    tpu.wait_dma2 semaphore(%dma_wait3A_342 : memref<!tpu.dma_semaphore, #tpu.memory_space<semaphore_mem>>) src(%dma_wait3A_347 : memref<1024xi32, #tpu.memory_space<hbm>>) dst(%dma_wait3A_344 : memref<1024xi32, #tpu.memory_space<vmem>>)
    %dma_wait3A_348 = arith.constant 3 : i32
    %dma_wait3A_349 = arith.constant 3072 : i32
    %dma_wait3A_350 = tpu.memref_slice %arg7[%dma_wait3A_349] : memref<4096xf32, #tpu.memory_space<vmem>> -> memref<1024xf32, #tpu.memory_space<vmem>>
    %dma_wait3A_351 = arith.constant 3072 : i32
    %dma_wait3A_352 = tpu.memref_slice %arg4[%add3A, %dma_wait3A_351] : memref<32x4096xf32, #tpu.memory_space<hbm>> -> memref<1x1024xf32, #tpu.memory_space<hbm>>
    %dma_wait3A_353 = tpu.memref_squeeze %dma_wait3A_352 : memref<1x1024xf32, #tpu.memory_space<hbm>> -> memref<1024xf32, #tpu.memory_space<hbm>>
    %dma_wait3A_354 = tpu.memref_slice %arg9[%dma_wait3A_348] : memref<4x!tpu.dma_semaphore, #tpu.memory_space<semaphore_mem>> -> memref<1x!tpu.dma_semaphore, #tpu.memory_space<semaphore_mem>>
    %dma_wait3A_355 = tpu.memref_squeeze %dma_wait3A_354 : memref<1x!tpu.dma_semaphore, #tpu.memory_space<semaphore_mem>> -> memref<!tpu.dma_semaphore, #tpu.memory_space<semaphore_mem>>
    %dma_wait3A_356 = arith.constant 3072 : i32
    %dma_wait3A_357 = tpu.memref_slice %arg7[%dma_wait3A_356] : memref<4096xf32, #tpu.memory_space<vmem>> -> memref<1024xf32, #tpu.memory_space<vmem>>
    %dma_wait3A_358 = arith.constant 3072 : i32
    %dma_wait3A_359 = tpu.memref_slice %arg4[%add3A, %dma_wait3A_358] : memref<32x4096xf32, #tpu.memory_space<hbm>> -> memref<1x1024xf32, #tpu.memory_space<hbm>>
    %dma_wait3A_360 = tpu.memref_squeeze %dma_wait3A_359 : memref<1x1024xf32, #tpu.memory_space<hbm>> -> memref<1024xf32, #tpu.memory_space<hbm>>
    tpu.wait_dma2 semaphore(%dma_wait3A_355 : memref<!tpu.dma_semaphore, #tpu.memory_space<semaphore_mem>>) src(%dma_wait3A_360 : memref<1024xf32, #tpu.memory_space<hbm>>) dst(%dma_wait3A_357 : memref<1024xf32, #tpu.memory_space<vmem>>)
    %dma_wait3A_361 = arith.constant 3 : i32
    %dma_wait3A_362 = arith.constant 384 : i32
    %dma_wait3A_363 = arith.constant 0 : i32
    %dma_wait3A_364 = tpu.memref_slice %arg8[%dma_wait3A_362, %dma_wait3A_363] : memref<512x128xf32, #tpu.memory_space<vmem>> -> memref<128x128xf32, #tpu.memory_space<vmem>>
    %dma_wait3A_365 = arith.constant 0 : i32
    %dma_wait3A_366 = tpu.memref_slice %arg2[%add3A_152, %dma_wait3A_365] : memref<16384x128xf32, #tpu.memory_space<hbm>> -> memref<128x128xf32, #tpu.memory_space<hbm>>
    %dma_wait3A_367 = tpu.memref_slice %arg9[%dma_wait3A_361] : memref<4x!tpu.dma_semaphore, #tpu.memory_space<semaphore_mem>> -> memref<1x!tpu.dma_semaphore, #tpu.memory_space<semaphore_mem>>
    %dma_wait3A_368 = tpu.memref_squeeze %dma_wait3A_367 : memref<1x!tpu.dma_semaphore, #tpu.memory_space<semaphore_mem>> -> memref<!tpu.dma_semaphore, #tpu.memory_space<semaphore_mem>>
    %dma_wait3A_369 = arith.constant 384 : i32
    %dma_wait3A_370 = arith.constant 0 : i32
    %dma_wait3A_371 = tpu.memref_slice %arg8[%dma_wait3A_369, %dma_wait3A_370] : memref<512x128xf32, #tpu.memory_space<vmem>> -> memref<128x128xf32, #tpu.memory_space<vmem>>
    %dma_wait3A_372 = arith.constant 0 : i32
    %dma_wait3A_373 = tpu.memref_slice %arg2[%add3A_152, %dma_wait3A_372] : memref<16384x128xf32, #tpu.memory_space<hbm>> -> memref<128x128xf32, #tpu.memory_space<hbm>>
    tpu.wait_dma2 semaphore(%dma_wait3A_368 : memref<!tpu.dma_semaphore, #tpu.memory_space<semaphore_mem>>) src(%dma_wait3A_373 : memref<128x128xf32, #tpu.memory_space<hbm>>) dst(%dma_wait3A_371 : memref<128x128xf32, #tpu.memory_space<vmem>>)
    %scan3A_374 = arith.constant 0 : i32
    %scan3A_375 = arith.constant 0 : i32
    %scan3A_376 = arith.constant 8 : i32
    %scan3A_377 = arith.addi %scan3A_375, %scan3A_376 : i32
    %scan3A_378 = arith.constant 1 : i32
    scf.for %scan3A_432 = %scan3A_375 to %scan3A_377 step %scan3A_378  : i32 {
      %mul3A_433 = arith.constant 16 : i32
      %mul3A_434 = arith.muli %scan3A_432, %mul3A_433 : i32
      %add3A_435 = arith.constant 384 : i32
      %add3A_436 = arith.addi %add3A_435, %mul3A_434 : i32
      %add3A_437 = vector.broadcast %add3A_436 : i32 to vector<16xi32>
      %add3A_438 = arith.addi %add3A_437, %iota3A : vector<16xi32>
      %mul3A_439 = arith.constant 16 : i32
      %mul3A_440 = arith.muli %scan3A_432, %mul3A_439 : i32
      %add3A_441 = arith.constant 3072 : i32
      %add3A_442 = arith.addi %add3A_441, %mul3A_440 : i32
      %get3A = arith.index_cast %add3A_442 : i32 to index
      %get3A_443 = tpu.vector_load %arg6[%get3A] {strides = array<i32>} : memref<4096xi32, #tpu.memory_space<vmem>>, vector<16xi32>,
      %get3A_444 = arith.index_cast %add3A_442 : i32 to index
      %get3A_445 = tpu.vector_load %arg7[%get3A_444] {strides = array<i32>} : memref<4096xf32, #tpu.memory_space<vmem>>, vector<16xf32>,
      %gather3A = tpu.vector_load_idx %arg8[%add3A_438, %get3A_443] : memref<512x128xf32, #tpu.memory_space<vmem>>[vector<16xi32>, vector<16xi32>], vector<16xf32>,
      %add3A_446 = arith.addf %gather3A, %get3A_445 : vector<16xf32>
      %mul3A_447 = arith.constant 16 : i32
      %mul3A_448 = arith.muli %scan3A_432, %mul3A_447 : i32
      %add3A_449 = arith.constant 3200 : i32
      %add3A_450 = arith.addi %add3A_449, %mul3A_448 : i32
      %get3A_451 = arith.index_cast %add3A_450 : i32 to index
      %get3A_452 = tpu.vector_load %arg6[%get3A_451] {strides = array<i32>} : memref<4096xi32, #tpu.memory_space<vmem>>, vector<16xi32>,
      %get3A_453 = arith.index_cast %add3A_450 : i32 to index
      %get3A_454 = tpu.vector_load %arg7[%get3A_453] {strides = array<i32>} : memref<4096xf32, #tpu.memory_space<vmem>>, vector<16xf32>,
      %gather3A_455 = tpu.vector_load_idx %arg8[%add3A_438, %get3A_452] : memref<512x128xf32, #tpu.memory_space<vmem>>[vector<16xi32>, vector<16xi32>], vector<16xf32>,
      %add3A_456 = arith.addf %gather3A_455, %get3A_454 : vector<16xf32>
      %mul3A_457 = arith.constant 16 : i32
      %mul3A_458 = arith.muli %scan3A_432, %mul3A_457 : i32
      %add3A_459 = arith.constant 3328 : i32
      %add3A_460 = arith.addi %add3A_459, %mul3A_458 : i32
      %get3A_461 = arith.index_cast %add3A_460 : i32 to index
      %get3A_462 = tpu.vector_load %arg6[%get3A_461] {strides = array<i32>} : memref<4096xi32, #tpu.memory_space<vmem>>, vector<16xi32>,
      %get3A_463 = arith.index_cast %add3A_460 : i32 to index
      %get3A_464 = tpu.vector_load %arg7[%get3A_463] {strides = array<i32>} : memref<4096xf32, #tpu.memory_space<vmem>>, vector<16xf32>,
      %gather3A_465 = tpu.vector_load_idx %arg8[%add3A_438, %get3A_462] : memref<512x128xf32, #tpu.memory_space<vmem>>[vector<16xi32>, vector<16xi32>], vector<16xf32>,
      %add3A_466 = arith.addf %gather3A_465, %get3A_464 : vector<16xf32>
      %mul3A_467 = arith.constant 16 : i32
      %mul3A_468 = arith.muli %scan3A_432, %mul3A_467 : i32
      %add3A_469 = arith.constant 3456 : i32
      %add3A_470 = arith.addi %add3A_469, %mul3A_468 : i32
      %get3A_471 = arith.index_cast %add3A_470 : i32 to index
      %get3A_472 = tpu.vector_load %arg6[%get3A_471] {strides = array<i32>} : memref<4096xi32, #tpu.memory_space<vmem>>, vector<16xi32>,
      %get3A_473 = arith.index_cast %add3A_470 : i32 to index
      %get3A_474 = tpu.vector_load %arg7[%get3A_473] {strides = array<i32>} : memref<4096xf32, #tpu.memory_space<vmem>>, vector<16xf32>,
      %gather3A_475 = tpu.vector_load_idx %arg8[%add3A_438, %get3A_472] : memref<512x128xf32, #tpu.memory_space<vmem>>[vector<16xi32>, vector<16xi32>], vector<16xf32>,
      %add3A_476 = arith.addf %gather3A_475, %get3A_474 : vector<16xf32>
      %mul3A_477 = arith.constant 16 : i32
      %mul3A_478 = arith.muli %scan3A_432, %mul3A_477 : i32
      %add3A_479 = arith.constant 3584 : i32
      %add3A_480 = arith.addi %add3A_479, %mul3A_478 : i32
      %get3A_481 = arith.index_cast %add3A_480 : i32 to index
      %get3A_482 = tpu.vector_load %arg6[%get3A_481] {strides = array<i32>} : memref<4096xi32, #tpu.memory_space<vmem>>, vector<16xi32>,
      %get3A_483 = arith.index_cast %add3A_480 : i32 to index
      %get3A_484 = tpu.vector_load %arg7[%get3A_483] {strides = array<i32>} : memref<4096xf32, #tpu.memory_space<vmem>>, vector<16xf32>,
      %gather3A_485 = tpu.vector_load_idx %arg8[%add3A_438, %get3A_482] : memref<512x128xf32, #tpu.memory_space<vmem>>[vector<16xi32>, vector<16xi32>], vector<16xf32>,
      %add3A_486 = arith.addf %gather3A_485, %get3A_484 : vector<16xf32>
      %mul3A_487 = arith.constant 16 : i32
      %mul3A_488 = arith.muli %scan3A_432, %mul3A_487 : i32
      %add3A_489 = arith.constant 3712 : i32
      %add3A_490 = arith.addi %add3A_489, %mul3A_488 : i32
      %get3A_491 = arith.index_cast %add3A_490 : i32 to index
      %get3A_492 = tpu.vector_load %arg6[%get3A_491] {strides = array<i32>} : memref<4096xi32, #tpu.memory_space<vmem>>, vector<16xi32>,
      %get3A_493 = arith.index_cast %add3A_490 : i32 to index
      %get3A_494 = tpu.vector_load %arg7[%get3A_493] {strides = array<i32>} : memref<4096xf32, #tpu.memory_space<vmem>>, vector<16xf32>,
      %gather3A_495 = tpu.vector_load_idx %arg8[%add3A_438, %get3A_492] : memref<512x128xf32, #tpu.memory_space<vmem>>[vector<16xi32>, vector<16xi32>], vector<16xf32>,
      %add3A_496 = arith.addf %gather3A_495, %get3A_494 : vector<16xf32>
      %mul3A_497 = arith.constant 16 : i32
      %mul3A_498 = arith.muli %scan3A_432, %mul3A_497 : i32
      %add3A_499 = arith.constant 3840 : i32
      %add3A_500 = arith.addi %add3A_499, %mul3A_498 : i32
      %get3A_501 = arith.index_cast %add3A_500 : i32 to index
      %get3A_502 = tpu.vector_load %arg6[%get3A_501] {strides = array<i32>} : memref<4096xi32, #tpu.memory_space<vmem>>, vector<16xi32>,
      %get3A_503 = arith.index_cast %add3A_500 : i32 to index
      %get3A_504 = tpu.vector_load %arg7[%get3A_503] {strides = array<i32>} : memref<4096xf32, #tpu.memory_space<vmem>>, vector<16xf32>,
      %gather3A_505 = tpu.vector_load_idx %arg8[%add3A_438, %get3A_502] : memref<512x128xf32, #tpu.memory_space<vmem>>[vector<16xi32>, vector<16xi32>], vector<16xf32>,
      %add3A_506 = arith.addf %gather3A_505, %get3A_504 : vector<16xf32>
      %mul3A_507 = arith.constant 16 : i32
      %mul3A_508 = arith.muli %scan3A_432, %mul3A_507 : i32
      %add3A_509 = arith.constant 3968 : i32
      %add3A_510 = arith.addi %add3A_509, %mul3A_508 : i32
      %get3A_511 = arith.index_cast %add3A_510 : i32 to index
      %get3A_512 = tpu.vector_load %arg6[%get3A_511] {strides = array<i32>} : memref<4096xi32, #tpu.memory_space<vmem>>, vector<16xi32>,
      %get3A_513 = arith.index_cast %add3A_510 : i32 to index
      %get3A_514 = tpu.vector_load %arg7[%get3A_513] {strides = array<i32>} : memref<4096xf32, #tpu.memory_space<vmem>>, vector<16xf32>,
      %gather3A_515 = tpu.vector_load_idx %arg8[%add3A_438, %get3A_512] : memref<512x128xf32, #tpu.memory_space<vmem>>[vector<16xi32>, vector<16xi32>], vector<16xf32>,
      %add3A_516 = arith.addf %gather3A_515, %get3A_514 : vector<16xf32>
      tpu.vector_store_idx %arg8[%add3A_438, %get3A_443], %add3A_446 : memref<512x128xf32, #tpu.memory_space<vmem>>[vector<16xi32>, vector<16xi32>], vector<16xf32>,
      tpu.vector_store_idx %arg8[%add3A_438, %get3A_452], %add3A_456 : memref<512x128xf32, #tpu.memory_space<vmem>>[vector<16xi32>, vector<16xi32>], vector<16xf32>,
      tpu.vector_store_idx %arg8[%add3A_438, %get3A_462], %add3A_466 : memref<512x128xf32, #tpu.memory_space<vmem>>[vector<16xi32>, vector<16xi32>], vector<16xf32>,
      tpu.vector_store_idx %arg8[%add3A_438, %get3A_472], %add3A_476 : memref<512x128xf32, #tpu.memory_space<vmem>>[vector<16xi32>, vector<16xi32>], vector<16xf32>,
      tpu.vector_store_idx %arg8[%add3A_438, %get3A_482], %add3A_486 : memref<512x128xf32, #tpu.memory_space<vmem>>[vector<16xi32>, vector<16xi32>], vector<16xf32>,
      tpu.vector_store_idx %arg8[%add3A_438, %get3A_492], %add3A_496 : memref<512x128xf32, #tpu.memory_space<vmem>>[vector<16xi32>, vector<16xi32>], vector<16xf32>,
      tpu.vector_store_idx %arg8[%add3A_438, %get3A_502], %add3A_506 : memref<512x128xf32, #tpu.memory_space<vmem>>[vector<16xi32>, vector<16xi32>], vector<16xf32>,
      tpu.vector_store_idx %arg8[%add3A_438, %get3A_512], %add3A_516 : memref<512x128xf32, #tpu.memory_space<vmem>>[vector<16xi32>, vector<16xi32>], vector<16xf32>,
    }
    %scan3A_379 = arith.constant 8 : i32
    %add3A_380 = arith.constant 384 : i32
    %add3A_381 = arith.addi %mul3A_2, %add3A_380 : i32
    %dma_start3A_382 = arith.constant 384 : i32
    %dma_start3A_383 = arith.constant 0 : i32
    %dma_start3A_384 = tpu.memref_slice %arg8[%dma_start3A_382, %dma_start3A_383] : memref<512x128xf32, #tpu.memory_space<vmem>> -> memref<128x128xf32, #tpu.memory_space<vmem>>
    %dma_start3A_385 = arith.constant 0 : i32
    %dma_start3A_386 = tpu.memref_slice %arg5[%add3A_381, %dma_start3A_385] : memref<16384x128xf32, #tpu.memory_space<hbm>> -> memref<128x128xf32, #tpu.memory_space<hbm>>
    %dma_start3A_387 = arith.constant 0 : i32
    %dma_start3A_388 = tpu.memref_slice %arg5[%add3A_381, %dma_start3A_387] : memref<16384x128xf32, #tpu.memory_space<hbm>> -> memref<128x128xf32, #tpu.memory_space<hbm>>
    %dma_start3A_389 = arith.constant 384 : i32
    %dma_start3A_390 = arith.constant 0 : i32
    %dma_start3A_391 = tpu.memref_slice %arg8[%dma_start3A_389, %dma_start3A_390] : memref<512x128xf32, #tpu.memory_space<vmem>> -> memref<128x128xf32, #tpu.memory_space<vmem>>
    tpu.enqueue_dma source(%dma_start3A_391 : memref<128x128xf32, #tpu.memory_space<vmem>>) target(%dma_start3A_388 : memref<128x128xf32, #tpu.memory_space<hbm>>) target_semaphore(%arg10 : memref<!tpu.dma_semaphore, #tpu.memory_space<semaphore_mem>>)
    %dma_wait3A_392 = arith.constant 0 : i32
    %dma_wait3A_393 = arith.constant 0 : i32
    %dma_wait3A_394 = tpu.memref_slice %arg8[%dma_wait3A_392, %dma_wait3A_393] : memref<512x128xf32, #tpu.memory_space<vmem>> -> memref<128x128xf32, #tpu.memory_space<vmem>>
    %dma_wait3A_395 = arith.constant 0 : i32
    %dma_wait3A_396 = tpu.memref_slice %arg5[%add3A_210, %dma_wait3A_395] : memref<16384x128xf32, #tpu.memory_space<hbm>> -> memref<128x128xf32, #tpu.memory_space<hbm>>
    %dma_wait3A_397 = arith.constant 0 : i32
    %dma_wait3A_398 = tpu.memref_slice %arg5[%add3A_210, %dma_wait3A_397] : memref<16384x128xf32, #tpu.memory_space<hbm>> -> memref<128x128xf32, #tpu.memory_space<hbm>>
    %dma_wait3A_399 = arith.constant 0 : i32
    %dma_wait3A_400 = arith.constant 0 : i32
    %dma_wait3A_401 = tpu.memref_slice %arg8[%dma_wait3A_399, %dma_wait3A_400] : memref<512x128xf32, #tpu.memory_space<vmem>> -> memref<128x128xf32, #tpu.memory_space<vmem>>
    tpu.wait_dma2 semaphore(%arg10 : memref<!tpu.dma_semaphore, #tpu.memory_space<semaphore_mem>>) src(%dma_wait3A_401 : memref<128x128xf32, #tpu.memory_space<vmem>>) dst(%dma_wait3A_398 : memref<128x128xf32, #tpu.memory_space<hbm>>)
    %dma_wait3A_402 = arith.constant 128 : i32
    %dma_wait3A_403 = arith.constant 0 : i32
    %dma_wait3A_404 = tpu.memref_slice %arg8[%dma_wait3A_402, %dma_wait3A_403] : memref<512x128xf32, #tpu.memory_space<vmem>> -> memref<128x128xf32, #tpu.memory_space<vmem>>
    %dma_wait3A_405 = arith.constant 0 : i32
    %dma_wait3A_406 = tpu.memref_slice %arg5[%add3A_267, %dma_wait3A_405] : memref<16384x128xf32, #tpu.memory_space<hbm>> -> memref<128x128xf32, #tpu.memory_space<hbm>>
    %dma_wait3A_407 = arith.constant 0 : i32
    %dma_wait3A_408 = tpu.memref_slice %arg5[%add3A_267, %dma_wait3A_407] : memref<16384x128xf32, #tpu.memory_space<hbm>> -> memref<128x128xf32, #tpu.memory_space<hbm>>
    %dma_wait3A_409 = arith.constant 128 : i32
    %dma_wait3A_410 = arith.constant 0 : i32
    %dma_wait3A_411 = tpu.memref_slice %arg8[%dma_wait3A_409, %dma_wait3A_410] : memref<512x128xf32, #tpu.memory_space<vmem>> -> memref<128x128xf32, #tpu.memory_space<vmem>>
    tpu.wait_dma2 semaphore(%arg10 : memref<!tpu.dma_semaphore, #tpu.memory_space<semaphore_mem>>) src(%dma_wait3A_411 : memref<128x128xf32, #tpu.memory_space<vmem>>) dst(%dma_wait3A_408 : memref<128x128xf32, #tpu.memory_space<hbm>>)
    %dma_wait3A_412 = arith.constant 256 : i32
    %dma_wait3A_413 = arith.constant 0 : i32
    %dma_wait3A_414 = tpu.memref_slice %arg8[%dma_wait3A_412, %dma_wait3A_413] : memref<512x128xf32, #tpu.memory_space<vmem>> -> memref<128x128xf32, #tpu.memory_space<vmem>>
    %dma_wait3A_415 = arith.constant 0 : i32
    %dma_wait3A_416 = tpu.memref_slice %arg5[%add3A_324, %dma_wait3A_415] : memref<16384x128xf32, #tpu.memory_space<hbm>> -> memref<128x128xf32, #tpu.memory_space<hbm>>
    %dma_wait3A_417 = arith.constant 0 : i32
    %dma_wait3A_418 = tpu.memref_slice %arg5[%add3A_324, %dma_wait3A_417] : memref<16384x128xf32, #tpu.memory_space<hbm>> -> memref<128x128xf32, #tpu.memory_space<hbm>>
    %dma_wait3A_419 = arith.constant 256 : i32
    %dma_wait3A_420 = arith.constant 0 : i32
    %dma_wait3A_421 = tpu.memref_slice %arg8[%dma_wait3A_419, %dma_wait3A_420] : memref<512x128xf32, #tpu.memory_space<vmem>> -> memref<128x128xf32, #tpu.memory_space<vmem>>
    tpu.wait_dma2 semaphore(%arg10 : memref<!tpu.dma_semaphore, #tpu.memory_space<semaphore_mem>>) src(%dma_wait3A_421 : memref<128x128xf32, #tpu.memory_space<vmem>>) dst(%dma_wait3A_418 : memref<128x128xf32, #tpu.memory_space<hbm>>)
    %dma_wait3A_422 = arith.constant 384 : i32
    %dma_wait3A_423 = arith.constant 0 : i32
    %dma_wait3A_424 = tpu.memref_slice %arg8[%dma_wait3A_422, %dma_wait3A_423] : memref<512x128xf32, #tpu.memory_space<vmem>> -> memref<128x128xf32, #tpu.memory_space<vmem>>
    %dma_wait3A_425 = arith.constant 0 : i32
    %dma_wait3A_426 = tpu.memref_slice %arg5[%add3A_381, %dma_wait3A_425] : memref<16384x128xf32, #tpu.memory_space<hbm>> -> memref<128x128xf32, #tpu.memory_space<hbm>>
    %dma_wait3A_427 = arith.constant 0 : i32
    %dma_wait3A_428 = tpu.memref_slice %arg5[%add3A_381, %dma_wait3A_427] : memref<16384x128xf32, #tpu.memory_space<hbm>> -> memref<128x128xf32, #tpu.memory_space<hbm>>
    %dma_wait3A_429 = arith.constant 384 : i32
    %dma_wait3A_430 = arith.constant 0 : i32
    %dma_wait3A_431 = tpu.memref_slice %arg8[%dma_wait3A_429, %dma_wait3A_430] : memref<512x128xf32, #tpu.memory_space<vmem>> -> memref<128x128xf32, #tpu.memory_space<vmem>>
    tpu.wait_dma2 semaphore(%arg10 : memref<!tpu.dma_semaphore, #tpu.memory_space<semaphore_mem>>) src(%dma_wait3A_431 : memref<128x128xf32, #tpu.memory_space<vmem>>) dst(%dma_wait3A_428 : memref<128x128xf32, #tpu.memory_space<hbm>>)
    return
  }
}

</mosaic_0001>

<sc_bundles>
// kernel: kernel.3.cloned.1.call-start
scs
__scs_entry_jumppad:
0x0: {  	(pc) =	sbr.rel $0x88, $3  }
0x1: {  	(tag) =	ssettag $0x0;
	lr =	simm.s32 $0x1  }
0x2: {  	[smem:$0x3F9F] =	sst lr;
	_ =	strace $0xD0000000  }
0x3: {  	_ = 	snop  }
0x4: {  	_ = 	snop  }
0x5: {  	_ = 	snop  }
0x6: {  	_ = 	snop  }
0x7: {  	_ = 	snop  }
__scs_overlays_trampoline_lowered:
0x8: {  	[smem:$0x3FAE] =	sst s0  }
0x9: {  	[smem:$0x3FAF] =	sst s1  }
0xa: {  	[smem:$0x3FB0] =	sst s2  }
0xb: {  	[smem:$0x3FB1] =	sst s3  }
0xc: {  	[smem:$0x3FB2] =	sst s4  }
0xd: {  	[smem:$0x3FB3] =	sst s5  }
0xe: {  	[smem:$0x3FB4] =	sst s6  }
0xf: {  	[smem:$0x3FB5] =	sst s7  }
0x10: {  	[smem:$0x3FB6] =	sst s8  }
0x11: {  	[smem:$0x3FB7] =	sst s9;
	s0 =	simm.s32 @!p0 $0x0  }
0x12: {  	s1 =	sld [smem:$0x3F9D];
	s0 =	simm.s32 @p0 $0x1  }
0x13: {  	[smem:$0x3FB8] =	sst s0;
	s0 =	simm.s32 @!p1 $0x0  }
0x14: {  	s2 =	sld [smem:$0x3F9C];
	s0 =	simm.s32 @p1 $0x1  }
0x15: {  	[smem:$0x3FB9] =	sst s0;
	s0 =	simm.s32 @!p2 $0x0  }
0x16: {  	s3 =	sld [smem:$0x3FDB];
	s0 =	simm.s32 @p2 $0x1  }
0x17: {  	s4 =	simm.s32 $0x1BF5;
	[smem:$0x3FBB] =	sst s0  }
0x18: {  	s0 =	sld [smem:$0x3F9E];
	_ =	swait.ge [sflag:s4], $0x0  }
0x19: {  	s7 =	sld [smem:$0x3F9F]  }
0x1a: {  	s8 =	sadd.s32 $0xFFFFE003, lr  }
0x1b: {  	s9 =	sadd.s32 $0xFFFFFEF7, lr;
	s5 =	simm.s32 $0xFFFFFFFF;
	p2 =	slt.u32 s8, $0xFFFFF086  }
0x1c: {  	p1 =	slt.u32 s9, $0xF7A;
	s5 =	simm.s32 @!p2 $0x0  }
0x1d: {  	s5 =	simm.s32 @p1 $0x1;
	p0 =	seq.s32 s7, s2  }
0x1e: {  	s7 =	smul.u32 @!p0 $0xF7A, s2;
	p2 =	seq.s32 @!p0 s5, $0x0  }
0x1f: {  	s9 =	smul.u32 $0xF7A, s1;
	s8 =	simm.s32 @!p0 $0x1BF5;
	p2 =	por !p2, p0  }
0x20: {  	[sflag:s8] =	ssyncset.s32 @!p0 $0xFFFFF086;
	s6 =	sadd.s32 @!p0 s3, s7;
	s7 =	simm.s32 @!p0 $0x108  }
0x21: {  	s3 =	sadd.s32 s3, s9;
	s6 =	sadd.s32 @!p0 $0x88, s6;
	s7 =	simm.s32 @p2 $0x1082  }
0x22: {  	[simem:s7], [sflag:s8] =	dma.local @!p0 [hbm:s6], $0xF7A  }
0x23: {  	s9 =	sor.u32 $0xD0000000, s2;
	s6 =	simm.s32 $0x108;
	_ =	swait.ge @!p0 [sflag:s8], $0x0  }
0x24: {  	s3 =	sadd.s32 $0x88, s3;
	s6 =	simm.s32 @!p1 $0x1082;
	[sflag:s4] =	ssyncset.s32 $0xFFFFF086  }
0x25: {  	[simem:s6], [sflag:s4] =	dma.local [hbm:s3], $0xF7A  }
0x26: {  	[smem:$0x3F9F] =	sst s1;
	(tag) =	ssettag s2;
	_ =	strace s9  }
0x27: {  	s1 =	sld [smem:$0x3FAF]  }
0x28: {  	s2 =	sld [smem:$0x3FB0]  }
0x29: {  	s4 =	sld [smem:$0x3FB2]  }
0x2a: {  	p0 =	seq.s32 s5, $0x0;
	s5 =	sld [smem:$0x3FB3]  }
0x2b: {  	s6 =	sld [smem:$0x3FB4]  }
0x2c: {  	s7 =	sld [smem:$0x3FB5]  }
0x2d: {  	s3 =	simm.s32 $0x108;
	s8 =	sld [smem:$0x3FB6]  }
0x2e: {  	s3 =	simm.s32 @!p0 $0x1082;
	s9 =	sld [smem:$0x3FB7]  }
0x2f: {  	lr =	sadd.s32 s0, s3;
	s0 =	sld [smem:$0x3FAE]  }
0x30: {  	s3 =	sld [smem:$0x3FB1]  }
0x31: {  	[smem:$0x3FBA] =	sst s10  }
0x32: {  	s10 =	sld [smem:$0x3FB8];
	_ =	sdelay $0x3  }
0x33: {  	p0 =	seq.s32 s10, $0x1;
	s10 =	sld [smem:$0x3FBA];
	_ =	sdelay $0x3  }
0x34: {  	[smem:$0x3FBA] =	sst s10  }
0x35: {  	s10 =	sld [smem:$0x3FB9];
	_ =	sdelay $0x3  }
0x36: {  	p1 =	seq.s32 s10, $0x1;
	s10 =	sld [smem:$0x3FBA];
	_ =	sdelay $0x3  }
0x37: {  	[smem:$0x3FBA] =	sst s10  }
0x38: {  	s10 =	sld [smem:$0x3FBB]  }
0x39: {  	_ = 	snop;
	(pc) =	sbr.ind lr, $3  }
0x3a: {  	_ = 	snop  }
0x3b: {  	_ = 	snop  }
0x3c: {  	p2 =	seq.s32 s10, $0x1;
	s10 =	sld [smem:$0x3FBA]  }
0x3d: {  	_ =	shalt  }
0x3e: {  	_ =	shalt  }
0x3f: {  	_ =	shalt  }
0x40: {  	_ =	shalt  }
0x41: {  	_ =	shalt  }
0x42: {  	_ =	shalt  }
0x43: {  	_ =	shalt  }
0x44: {  	_ =	shalt  }
0x45: {  	_ =	shalt  }
0x46: {  	_ =	shalt  }
0x47: {  	_ =	shalt  }
0x48: {  	_ =	shalt  }
0x49: {  	_ =	shalt  }
0x4a: {  	_ =	shalt  }
0x4b: {  	_ =	shalt  }
0x4c: {  	_ =	shalt  }
0x4d: {  	_ =	shalt  }
0x4e: {  	_ =	shalt  }
0x4f: {  	_ =	shalt  }
0x50: {  	_ =	shalt  }
0x51: {  	_ =	shalt  }
0x52: {  	_ =	shalt  }
0x53: {  	_ =	shalt  }
0x54: {  	_ =	shalt  }
0x55: {  	_ =	shalt  }
0x56: {  	_ =	shalt  }
0x57: {  	_ =	shalt  }
0x58: {  	_ =	shalt  }
0x59: {  	_ =	shalt  }
0x5a: {  	_ =	shalt  }
0x5b: {  	_ =	shalt  }
0x5c: {  	_ =	shalt  }
0x5d: {  	_ =	shalt  }
0x5e: {  	_ =	shalt  }
0x5f: {  	_ =	shalt  }
0x60: {  	_ =	shalt  }
0x61: {  	_ =	shalt  }
0x62: {  	_ =	shalt  }
0x63: {  	_ =	shalt  }
0x64: {  	_ =	shalt  }
0x65: {  	_ =	shalt  }
0x66: {  	_ =	shalt  }
0x67: {  	_ =	shalt  }
0x68: {  	_ =	shalt  }
0x69: {  	_ =	shalt  }
0x6a: {  	_ =	shalt  }
0x6b: {  	_ =	shalt  }
0x6c: {  	_ =	shalt  }
0x6d: {  	_ =	shalt  }
0x6e: {  	_ =	shalt  }
0x6f: {  	_ =	shalt  }
0x70: {  	_ =	shalt  }
0x71: {  	_ =	shalt  }
0x72: {  	_ =	shalt  }
0x73: {  	_ =	shalt  }
0x74: {  	_ =	shalt  }
0x75: {  	_ =	shalt  }
0x76: {  	_ =	shalt  }
0x77: {  	_ =	shalt  }
0x78: {  	_ =	shalt  }
0x79: {  	_ =	shalt  }
0x7a: {  	_ =	shalt  }
0x7b: {  	_ =	shalt  }
0x7c: {  	_ =	shalt  }
0x7d: {  	_ =	shalt  }
0x7e: {  	_ =	shalt  }
0x7f: {  	_ =	shalt  }
0x80: {  	_ =	shalt  }
0x81: {  	_ =	shalt  }
0x82: {  	_ =	shalt  }
0x83: {  	_ =	shalt  }
0x84: {  	_ =	shalt  }
0x85: {  	_ =	shalt  }
0x86: {  	_ =	shalt  }
0x87: {  	_ =	shalt  }
.Lfunc_end0:
.L_simem_size_0:
called_computation_lowered:
.L_overlay_start_0:
0x88: {  	s2 =	sld [smem:$0x3FD9]  }
0x89: {  	s3 =	sld [smem:$0x3FFE];
	_ =	sdelay $0x1  }
0x8a: {  	s1 =	srdreg.scid  }
0x8b: {  	s0 =	sand.u32 $0x1, s1  }
0x8c: {  	s17 =	sshll.u32 s0, $0xA;
	s2 =	sadd.s32 s3, s2  }
0x8d: {  	s2 =	sadd.s32 s2, s17  }
0x8e: {  	[smem:$0x3FC6] =	sst s2  }
0x8f: {  	_ = 	snop  }
0x90: {  	s2 =	sld [smem:$0x3FC9]  }
0x91: {  	s18 =	sld [smem:$0x3FD0];
	(tm) =	ssettm $0x1  }
0x92: {  	s4 =	sld [smem:$0x3FFB];
	_ =	sdelay $0x3  }
0x93: {  	_ =	strace s4  }
0x94: {  	s4 =	sld [smem:$0x3FFC];
	_ =	sdelay $0x3  }
0x95: {  	_ =	strace s4  }
0x96: {  	s4 =	sld [smem:$0x3FFD];
	_ =	sdelay $0x3  }
0x97: {  	_ =	strace s4  }
0x98: {  	_ =	strace $0x8FFFFFFF  }
0x99: {  	s19 =	sld [smem:$0x3FDB];
	_ =	sdelay $0x1  }
0x9a: {  	s5 =	simm.s32 $_scs_section_size  }
0x9b: {  	s6 =	simm.s32 $_size__tile_overlayer_lowered;
	s7 =	simm.s32 $_tile_overlayer_lowered  }
0x9c: {  	s22 =	simm.s32 $0x1BFF;
	s21 =	sshll.u32 s7, $0x1;
	s4 =	sadd.s32 s5, s19  }
0x9d: {  	s8 =	simm.s32 $0x0;
	s20 =	sshll.u32 s6, $0x1;
	s6 =	sadd.s32 s21, s4  }
0x9e: {  	[timem:s8], [sflag:s22] =	dma.local [hbm:s6], s20  }
0x9f: {  	_ =	swait.ge [sflag:s22], s20  }
0xa0: {  	s5 =	ssub.s32 $0x0, s20;
	[sflag:s22] =	ssyncset.done $0x0  }
0xa1: {  	[sflag:s22] =	ssyncadd.s32 s5;
	_ =	sdelay $0x1  }
0xa2: {  	s23 =	simm.s32 $0x1B8B  }
0xa3: {  	_ =	swait.ge [sflag:s23], $0x1  }
0xa4: {  	[sflag:s23] =	ssyncset.done $0x0  }
0xa5: {  	s25 =	simm.s32 $0x1B8E;
	s24 =	sld [smem:$0x3FFE];
	[sflag:s23] =	ssyncadd.s32 $0xFFFFFFFF  }
0xa6: {  	s26 =	simm.s32 $execute0_lowered;
	[smem:$0x3FD2] =	sst s25  }
0xa7: {  	s6 =	sshll.u32 s26, $0x1;
	_ =	strace $0x80000046;
	[dreg:$0x1] =	wrdreg $0xFFFFFFFF  }
0xa8: {  	s28 =	simm.s32 $_size_execute0_lowered;
	s4 =	sadd.s32 s4, s6;
	[dreg:$0x0] =	wrdreg $0x0  }
0xa9: {  	s6 =	sshll.u32 s28, $0x1;
	[dreg:$0x2] =	wrdreg s4  }
0xaa: {  	[dreg:$0x3] =	wrdreg s6  }
0xab: {  	[dreg:$0x4] =	wrdreg $0xC0  }
0xac: {  	_ =	task [dreg:s8], $0x5FFFF  }
0xad: {  	[dreg:$0x1] =	wrdreg $0xFFFFFFFF  }
0xae: {  	[dreg:$0x0] =	wrdreg $0x60  }
0xaf: {  	[dreg:$0x2] =	wrdreg s2  }
0xb0: {  	[dreg:$0x3] =	wrdreg s24  }
0xb1: {  	[dreg:$0x4] =	wrdreg s18  }
0xb2: {  	[dreg:$0x5] =	wrdreg $0x9  }
0xb3: {  	_ =	task.clear_ibuf [dreg:s8], $0x6FFFF;
	_ =	strace $0x90000046  }
0xb4: {  	s29 =	simm.s32 $0x9;
	_ =	strace $0x80000048  }
0xb5: {  	_ =	swait.ge [sflag:s29], $0x1  }
0xb6: {  	[sflag:s29] =	ssyncadd.s32 $0xFFFFFFFF  }
0xb7: {  	_ =	strace $0x90000048  }
0xb8: {  	_ =	sfence  }
0xb9: {  	s30 =	sld [smem:$0x0];
	_ =	sdelay $0x2  }
0xba: {  	s31 =	sshll.u32 s1, $0xD;
	s1 =	sshrl.u32 s1, $0x2  }
0xbb: {  	s3 =	sand.u32 $0x4000, s31;
	s1 =	sadd.s32 s1, s30  }
0xbc: {  	s0 =	sor.u32 s3, s0;
	s1 =	sshll.u32 s1, $0x11  }
0xbd: {  	s0 =	sor.u32 s1, s0  }
0xbe: {  	s0 =	sadd.s32 $0x8F2B, s0  }
0xbf: {  	[sflag:s0] =	ssyncadd.remote.s32 $0x1  }
0xc0: {  	_ =	sfence.sel $0xFFFF  }
0xc1: {  	[dreg:$0x0] =	wrdreg $0xFFFFFFFF;
	(pc) =	sbr.abs _section_cstart, $3  }
0xc2: {  	[dreg:$0x1] =	wrdreg $0xFFFFFFFF  }
0xc3: {  	_ =	task.clear_ibuf [dreg:s8], $0x2FFFF;
	_ =	strace $0x9FFFFFFF  }
0xc4: {  	(tm) =	ssettm $0x7FFFFFFF  }
0xc5: {  	_ =	shalt  }
tec
execute0_lowered:
.L_overlay_start_1:
0x0: {  	(tag) =	ssettag $0x1  }
0x1: {  	s0 =	rddreg [dreg:$0x0]  }
0x2: {  	s1 =	rddreg [dreg:$0x1]  }
0x3: {  	s3 =	rddreg [dreg:$0x2];
	s2 =	simm.s32 $0x0;
	s4 =	srdreg.scid  }
0x4: {  	s6 =	stileid.u32;
	s20 =	simm.s32 $0x80;
	s21 =	simm.s32 $0x400  }
0x5: {  	s23 =	simm.s32 $0x2000;
	s29 =	simm.s32 $0xA000;
	s22 =	simm.s32 $0x2  }
0x6: {  	s28 =	simm.s32 $0x5;
	s30 =	simm.s32 $0x0;
	[smem:$0x7FF] =	sst s2  }
0x7: {  	s4 =	sand.u32 $0x1, s4;
	s5 =	sshll.u32 s6, $0x1;
	s6 =	sshll.u32 s6, $0xA  }
0x8: {  	s12 =	sadd.s32 $0x4400, s1;
	s1 =	sadd.s32 $0x400, s1;
	s5 =	sor.u32 s4, s5  }
0x9: {  	_ =	strace $0x80000047;
	s4 =	ssub.s32 $0x2, s4;
	s7 =	sshll.u32 s5, $0x4  }
0xa: {  	s8 =	sshrl.u32 s4, $0x1;
	s15 =	sshll.u32 s5, $0xD;
	s6 =	sor.u32 s6, s7  }
0xb: {  	s4 =	ssub.s32 s4, s8;
	s26 =	sadd.s32 s0, s15;
	s16 =	sor.u32 $0x800, s15  }
0xc: {  	s17 =	sor.u32 $0x1000, s15;
	s31 =	sor.u32 $0x1800, s15;
	s15 =	sadd.s32 s3, s15  }
0xd: {  	s13 =	sand.u32 $0x3070, s6;
	[dreg:$0x6] =	wrdreg s26;
	s8 =	sadd.s32 s0, s16  }
0xe: {  	s11 =	sadd.s32 s0, s17;
	s14 =	sadd.s32 s0, s31;
	s16 =	sadd.s32 s3, s16  }
0xf: {  	s17 =	sadd.s32 s3, s17;
	s18 =	sadd.s32 s3, s31;
	s19 =	smax.u32 s4, $0x1  }
0x10: {  	s0 =	simm.s32 $0xE000;
	s26 =	simm.s32 $0x4;
	s6 =	sadd.s32 s12, s13  }
0x11: {  	s24 =	sor.u32 $0x400, s13;
	s25 =	sadd.s32 s1, s13;
	[dreg:$0x4] =	wrdreg s6  }
0x12: {  	s10 =	sor.u32 $0x800, s13;
	s13 =	sor.u32 $0xC00, s13;
	[dreg:$0x5] =	wrdreg s25  }
0x13: {  	s6 =	sadd.s32 s12, s24;
	s7 =	sadd.s32 s1, s24;
	s9 =	sadd.s32 s12, s10  }
0x14: {  	v0 =	vlaneseq.u32;
	s10 =	sadd.s32 s1, s10;
	s12 =	sadd.s32 s12, s13;
	s13 =	sadd.s32 s1, s13  }
0x15: {  	v0 =	vmul.u32 $0x80, v0;
	s25 =	simm.s32 $0x6000;
	s1 =	simm.s32 $0x1;
	s24 =	simm.s32 $0x3  }
.LBB2_1:
0x16: {  	s3 =	rddreg [dreg:$0x4]  }
0x17: {  	[tilespmem:s2], [sflag:$0x1] =	stream.strided.gather [hbm4b:s3+s20], $0x400, s21, s20, $0x38;
	[tilespmem:$0x12000] =	vst v63  }
0x18: {  	s5 =	rddreg [dreg:$0x5];
	s4 =	simm.s32 $0x1000  }
0x19: {  	[tilespmem:s4], [sflag:$0x1] =	stream.strided.gather [hbm4b:s5+s20], $0x400, s21, s20, $0x38;
	[tilespmem:$0x12000] =	vst v63  }
0x1a: {  	s4 =	rddreg [dreg:$0x6]  }
0x1b: {  	[tilespmem:s23], [sflag:$0x1] =	stream.linear.gather [hbm4b:s4+s2], $0x4000, $0x38;
	[tilespmem:$0x12000] =	vst v63  }
0x1c: {  	_ = 	snop  }
0x1d: {  	[tilespmem:s21], [sflag:$0x2] =	stream.strided.gather [hbm4b:s6+s20], $0x400, s21, s20, $0x38;
	[tilespmem:$0x12000] =	vst v63  }
0x1e: {  	s5 =	simm.s32 $0x1400  }
0x1f: {  	[tilespmem:s5], [sflag:$0x2] =	stream.strided.gather [hbm4b:s7+s20], $0x400, s21, s20, $0x38;
	[tilespmem:$0x12000] =	vst v63  }
0x20: {  	_ = 	snop  }
0x21: {  	[tilespmem:s25], [sflag:$0x2] =	stream.linear.gather [hbm4b:s8+s2], $0x4000, $0x38;
	[tilespmem:$0x12000] =	vst v63  }
0x22: {  	s4 =	simm.s32 $0x800  }
0x23: {  	[tilespmem:s4], [sflag:$0x3] =	stream.strided.gather [hbm4b:s9+s20], $0x400, s21, s20, $0x38;
	[tilespmem:$0x12000] =	vst v63  }
0x24: {  	s5 =	simm.s32 $0x1800  }
0x25: {  	[tilespmem:s5], [sflag:$0x3] =	stream.strided.gather [hbm4b:s10+s20], $0x400, s21, s20, $0x38;
	[tilespmem:$0x12000] =	vst v63  }
0x26: {  	_ = 	snop  }
0x27: {  	[tilespmem:s29], [sflag:$0x3] =	stream.linear.gather [hbm4b:s11+s2], $0x4000, $0x38;
	[tilespmem:$0x12000] =	vst v63  }
0x28: {  	s4 =	simm.s32 $0xC00  }
0x29: {  	[tilespmem:s4], [sflag:$0x4] =	stream.strided.gather [hbm4b:s12+s20], $0x400, s21, s20, $0x38;
	[tilespmem:$0x12000] =	vst v63  }
0x2a: {  	s5 =	simm.s32 $0x1C00  }
0x2b: {  	[tilespmem:s5], [sflag:$0x4] =	stream.strided.gather [hbm4b:s13+s20], $0x400, s21, s20, $0x38;
	[tilespmem:$0x12000] =	vst v63  }
0x2c: {  	_ = 	snop  }
0x2d: {  	[tilespmem:s0], [sflag:$0x4] =	stream.linear.gather [hbm4b:s14+s2], $0x4000, $0x38;
	[tilespmem:$0x12000] =	vst v63  }
0x2e: {  	_ =	swait.ge [sflag:s1], $0x400  }
0x2f: {  	[sflag:s1] =	ssyncset.done $0x0  }
0x30: {  	[sflag:s1] =	ssyncadd.s32 $0xFFFFFC00  }
0x31: {  	_ =	swait.ge [sflag:s1], $0x400  }
0x32: {  	[sflag:s1] =	ssyncset.done $0x0  }
0x33: {  	[sflag:s1] =	ssyncadd.s32 $0xFFFFFC00  }
0x34: {  	_ =	swait.ge [sflag:s1], $0x4000  }
0x35: {  	[sflag:s1] =	ssyncset.done $0x0  }
0x36: {  	s31 =	simm.s32 $0x200;
	[sflag:s1] =	ssyncadd.s32 $0xFFFFC000  }
0x37: {  	v3 =	vld [tilespmem:s31+$0xFFFFFE00]  }
0x38: {  	v4 =	vld [tilespmem:s31+$0xFFFFFE80]  }
0x39: {  	v5 =	vld [tilespmem:s31+$0xFFFFFF00]  }
0x3a: {  	v6 =	vld [tilespmem:s31+$0xFFFFFF80]  }
0x3b: {  	v7 =	vld [tilespmem:s31+$0x100]  }
0x3c: {  	v1 =	vmov s2;
	v8 =	vld [tilespmem:s31+$0x0]  }
0x3d: {  	s3 =	simm.s32 $0x1200;
	v1 =	vshll.u32 v1, $0x7;
	v9 =	vld [tilespmem:s31+$0x80]  }
0x3e: {  	v10 =	vor.u32 v0, v1;
	v1 =	vld [tilespmem:s3+$0x100];
	v2 =	vand.u32 $0xFFFFFF80, v3  }
0x3f: {  	v14 =	vld [tilespmem:s31+$0x180];
	v11 =	vand.u32 $0xFFFFFF80, v4;
	v13 =	vand.u32 $0xFFFFFF80, v5;
	v3 =	vand.u32 $0x7F, v3  }
0x40: {  	v16 =	vld [tilespmem:s3+$0x0];
	v5 =	vand.u32 $0x7F, v5;
	v12 =	vadd.s32 v10, v2;
	v13 =	vadd.s32 v10, v13  }
0x41: {  	v17 =	vld [tilespmem:s3+$0xFFFFFE80];
	v11 =	vadd.s32 v10, v11;
	v12 =	vor.u32 v3, v12;
	v15 =	vor.u32 v5, v13  }
0x42: {  	v19 =	vld [tilespmem:s3+$0xFFFFFE00];
	v3 =	vand.u32 $0x7F, v4;
	v4 =	vand.u32 $0xFFFFFF80, v6;
	v5 =	vand.u32 $0x7F, v6  }
0x43: {  	v22 =	vld [tilespmem:s3+$0xFFFFFF80];
	v6 =	vand.u32 $0xFFFFFF80, v8;
	v4 =	vadd.s32 v10, v4;
	v18 =	vor.u32 v3, v11  }
0x44: {  	v2 =	vld [tilespmem:s3+$0x80];
	v3 =	vadd.s32 v10, v6;
	v11 =	vand.u32 $0x7F, v7;
	v6 =	vand.u32 $0x7F, v8  }
0x45: {  	v13 =	vld [tilespmem:s3+$0xFFFFFF00];
	v4 =	vor.u32 v5, v4;
	v3 =	vor.u32 v6, v3;
	v6 =	vand.u32 $0xFFFFFF80, v9  }
0x46: {  	v8 =	vand.u32 $0x7F, v9;
	v7 =	vand.u32 $0xFFFFFF80, v7;
	v5 =	vld [tilespmem:s3+$0x180];
	v6 =	vadd.s32 v10, v6  }
0x47: {  	v9 =	vand.u32 $0xFFFFFF80, v14;
	v7 =	vadd.s32 v10, v7;
	v6 =	vor.u32 v8, v6;
	v21 =	vld.idx.msk [tilespmem:v12+s23+$0x0], $0xffff  }
0x48: {  	v9 =	vadd.s32 v10, v9;
	v7 =	vor.u32 v11, v7;
	v8 =	vand.u32 $0x7F, v14;
	v14 =	vld.idx.msk [tilespmem:v18+s23+$0x0], $0xffff  }
0x49: {  	v20 =	vld.idx.msk [tilespmem:v15+s23+$0x0], $0xffff;
	v8 =	vor.u32 v8, v9  }
0x4a: {  	v23 =	vld.idx.msk [tilespmem:v4+s23+$0x0], $0xffff  }
0x4b: {  	v24 =	vld.idx.msk [tilespmem:v3+s23+$0x0], $0xffff  }
0x4c: {  	v11 =	vld.idx.msk [tilespmem:v6+s23+$0x0], $0xffff;
	v19 =	vadd.f32 v21, v19  }
0x4d: {  	v10 =	vld.idx.msk [tilespmem:v7+s23+$0x0], $0xffff;
	v14 =	vadd.f32 v14, v17  }
0x4e: {  	v9 =	vld.idx.msk [tilespmem:v8+s23+$0x0], $0xffff;
	v63 =	vadd.f32 v20, v13;
	[tilespmem:v12+s23+$0x0] =	vst.idx.msk $0xffff, v19  }
0x4f: {  	v13 =	vadd.f32 v23, v22;
	[tilespmem:v18+s23+$0x0] =	vst.idx.msk $0xffff, v14  }
0x50: {  	s4 =	simm.s32 $0x10;
	v12 =	vadd.f32 v24, v16;
	[tilespmem:v15+s23+$0x0] =	vst.idx.msk $0xffff, v63  }
.LBB2_2:
0x51: {  	p0 =	sne.s32 s4, $0x70;
	v2 =	vadd.f32 v11, v2;
	[tilespmem:v4+s23+$0x0] =	vst.idx.msk $0xffff, v13;
	s3 =	sadd.s32 $0x10, s3;
	s31 =	sadd.s32 $0x10, s31  }
0x52: {  	v1 =	vadd.f32 v10, v1;
	s5 =	smov.u32 s4;
	s4 =	sadd.s32 $0x10, s4;
	[tilespmem:v3+s23+$0x0] =	vst.idx.msk $0xffff, v12  }
0x53: {  	v3 =	vadd.f32 v9, v5;
	[tilespmem:v6+s23+$0x0] =	vst.idx.msk $0xffff, v2  }
0x54: {  	[tilespmem:v7+s23+$0x0] =	vst.idx.msk $0xffff, v1  }
0x55: {  	[tilespmem:v8+s23+$0x0] =	vst.idx.msk $0xffff, v3  }
0x56: {  	v2 =	vld [tilespmem:s31+$0xFFFFFE00]  }
0x57: {  	v3 =	vld [tilespmem:s31+$0xFFFFFE80]  }
0x58: {  	v4 =	vld [tilespmem:s31+$0xFFFFFF00]  }
0x59: {  	v1 =	vmov s5;
	v5 =	vld [tilespmem:s31+$0xFFFFFF80]  }
0x5a: {  	v1 =	vshll.u32 v1, $0x7;
	v6 =	vld [tilespmem:s31+$0x100]  }
0x5b: {  	v7 =	vor.u32 v0, v1;
	v8 =	vld [tilespmem:s31+$0x0]  }
0x5c: {  	v1 =	vand.u32 $0xFFFFFF80, v2;
	v9 =	vand.u32 $0xFFFFFF80, v3;
	v10 =	vld [tilespmem:s31+$0x80]  }
0x5d: {  	v11 =	vadd.s32 v7, v1;
	v9 =	vadd.s32 v7, v9;
	v12 =	vand.u32 $0xFFFFFF80, v4;
	v1 =	vld [tilespmem:s3+$0x100]  }
0x5e: {  	v13 =	vand.u32 $0x7F, v2;
	v4 =	vand.u32 $0x7F, v4;
	v12 =	vadd.s32 v7, v12;
	v2 =	vld [tilespmem:s3+$0x80]  }
0x5f: {  	v3 =	vand.u32 $0x7F, v3;
	v13 =	vor.u32 v13, v11;
	v14 =	vor.u32 v4, v12;
	v11 =	vld [tilespmem:s31+$0x180]  }
0x60: {  	v4 =	vand.u32 $0xFFFFFF80, v5;
	v5 =	vand.u32 $0x7F, v5;
	v12 =	vld [tilespmem:s3+$0x0];
	v15 =	vand.u32 $0xFFFFFF80, v8  }
0x61: {  	v17 =	vand.u32 $0x7F, v6;
	v4 =	vadd.s32 v7, v4;
	v16 =	vld [tilespmem:s3+$0xFFFFFF00];
	v15 =	vadd.s32 v7, v15  }
0x62: {  	v19 =	vor.u32 v3, v9;
	v3 =	vand.u32 $0x7F, v8;
	v4 =	vor.u32 v5, v4;
	v18 =	vld [tilespmem:s3+$0xFFFFFE80]  }
0x63: {  	v5 =	vand.u32 $0xFFFFFF80, v10;
	v8 =	vand.u32 $0x7F, v10;
	v3 =	vor.u32 v3, v15;
	v9 =	vld [tilespmem:s3+$0xFFFFFE00]  }
0x64: {  	v6 =	vand.u32 $0xFFFFFF80, v6;
	v10 =	vadd.s32 v7, v5;
	v5 =	vld [tilespmem:s3+$0x180];
	v15 =	vand.u32 $0xFFFFFF80, v11  }
0x65: {  	v21 =	vadd.s32 v7, v6;
	v11 =	vand.u32 $0x7F, v11;
	v20 =	vld.idx.msk [tilespmem:v14+s23+$0x0], $0xffff;
	v15 =	vadd.s32 v7, v15  }
0x66: {  	v6 =	vor.u32 v8, v10;
	v7 =	vor.u32 v17, v21;
	v22 =	vld.idx.msk [tilespmem:v13+s23+$0x0], $0xffff;
	v8 =	vor.u32 v11, v15  }
0x67: {  	v15 =	vld.idx.msk [tilespmem:v19+s23+$0x0], $0xffff  }
0x68: {  	v17 =	vld [tilespmem:s3+$0xFFFFFF80]  }
0x69: {  	v21 =	vld.idx.msk [tilespmem:v4+s23+$0x0], $0xffff  }
0x6a: {  	v23 =	vld.idx.msk [tilespmem:v3+s23+$0x0], $0xffff  }
0x6b: {  	v16 =	vadd.f32 v20, v16;
	v11 =	vld.idx.msk [tilespmem:v6+s23+$0x0], $0xffff  }
.Ltmp0:
0x6c: {  	v20 =	vadd.f32 v22, v9;
	v10 =	vld.idx.msk [tilespmem:v7+s23+$0x0], $0xffff;
	(pc) =	sbr.rel @p0 .LBB2_2-.Ltmp0, $4  }
0x6d: {  	v15 =	vadd.f32 v15, v18;
	v9 =	vld.idx.msk [tilespmem:v8+s23+$0x0], $0xffff  }
0x6e: {  	[tilespmem:v13+s23+$0x0] =	vst.idx.msk $0xffff, v20  }
0x6f: {  	v13 =	vadd.f32 v21, v17;
	[tilespmem:v19+s23+$0x0] =	vst.idx.msk $0xffff, v15  }
0x70: {  	v12 =	vadd.f32 v23, v12;
	[tilespmem:v14+s23+$0x0] =	vst.idx.msk $0xffff, v16  }
0x71: {  	_ =	sdelay $0x3  }
0x72: {  	v2 =	vadd.f32 v11, v2;
	[tilespmem:v4+s23+$0x0] =	vst.idx.msk $0xffff, v13  }
0x73: {  	v1 =	vadd.f32 v10, v1;
	[tilespmem:v3+s23+$0x0] =	vst.idx.msk $0xffff, v12  }
0x74: {  	v3 =	vadd.f32 v9, v5;
	[tilespmem:v6+s23+$0x0] =	vst.idx.msk $0xffff, v2  }
0x75: {  	[tilespmem:v7+s23+$0x0] =	vst.idx.msk $0xffff, v1  }
0x76: {  	[tilespmem:v8+s23+$0x0] =	vst.idx.msk $0xffff, v3  }
0x77: {  	[hbm4b:s15+s2] =	stream.linear.scatter [tilespmem:s23], [sflag:$0x5], $0x4000, $0x38;
	[tilespmem:$0x12000] =	vst v63  }
0x78: {  	_ =	swait.ge [sflag:s22], $0x400  }
0x79: {  	[sflag:s22] =	ssyncset.done $0x0  }
0x7a: {  	[sflag:s22] =	ssyncadd.s32 $0xFFFFFC00  }
0x7b: {  	_ =	swait.ge [sflag:s22], $0x400  }
0x7c: {  	[sflag:s22] =	ssyncset.done $0x0  }
0x7d: {  	[sflag:s22] =	ssyncadd.s32 $0xFFFFFC00  }
0x7e: {  	_ =	swait.ge [sflag:s22], $0x4000  }
0x7f: {  	[sflag:s22] =	ssyncset.done $0x0  }
0x80: {  	s31 =	simm.s32 $0x780;
	[sflag:s22] =	ssyncadd.s32 $0xFFFFC000  }
0x81: {  	v3 =	vld [tilespmem:s31+$0xFFFFFC80]  }
0x82: {  	v4 =	vld [tilespmem:s31+$0xFFFFFD00]  }
0x83: {  	v5 =	vld [tilespmem:s31+$0xFFFFFD80]  }
0x84: {  	v6 =	vld [tilespmem:s31+$0xFFFFFE00]  }
0x85: {  	s3 =	simm.s32 $0x80;
	v7 =	vld [tilespmem:s31+$0xFFFFFF80]  }
0x86: {  	v1 =	vmov s3;
	v8 =	vld [tilespmem:s31+$0xFFFFFE80]  }
0x87: {  	s3 =	simm.s32 $0x1780;
	v1 =	vshll.u32 v1, $0x7;
	v9 =	vld [tilespmem:s31+$0xFFFFFF00]  }
0x88: {  	v10 =	vor.u32 v0, v1;
	v1 =	vld [tilespmem:s3+$0xFFFFFF80];
	v2 =	vand.u32 $0xFFFFFF80, v3  }
0x89: {  	v14 =	vld [tilespmem:s31+$0x0];
	v11 =	vand.u32 $0xFFFFFF80, v4;
	v13 =	vand.u32 $0xFFFFFF80, v5;
	v3 =	vand.u32 $0x7F, v3  }
0x8a: {  	v16 =	vld [tilespmem:s3+$0xFFFFFE80];
	v5 =	vand.u32 $0x7F, v5;
	v12 =	vadd.s32 v10, v2;
	v13 =	vadd.s32 v10, v13  }
0x8b: {  	v17 =	vld [tilespmem:s3+$0xFFFFFD00];
	v11 =	vadd.s32 v10, v11;
	v12 =	vor.u32 v3, v12;
	v15 =	vor.u32 v5, v13  }
0x8c: {  	v19 =	vld [tilespmem:s3+$0xFFFFFC80];
	v3 =	vand.u32 $0x7F, v4;
	v4 =	vand.u32 $0xFFFFFF80, v6;
	v5 =	vand.u32 $0x7F, v6  }
0x8d: {  	v22 =	vld [tilespmem:s3+$0xFFFFFE00];
	v6 =	vand.u32 $0xFFFFFF80, v8;
	v4 =	vadd.s32 v10, v4;
	v18 =	vor.u32 v3, v11  }
0x8e: {  	v2 =	vld [tilespmem:s3+$0xFFFFFF00];
	v3 =	vadd.s32 v10, v6;
	v11 =	vand.u32 $0x7F, v7;
	v6 =	vand.u32 $0x7F, v8  }
0x8f: {  	v13 =	vld [tilespmem:s3+$0xFFFFFD80];
	v4 =	vor.u32 v5, v4;
	v3 =	vor.u32 v6, v3;
	v6 =	vand.u32 $0xFFFFFF80, v9  }
0x90: {  	v8 =	vand.u32 $0x7F, v9;
	v7 =	vand.u32 $0xFFFFFF80, v7;
	v5 =	vld [tilespmem:s3+$0x0];
	v6 =	vadd.s32 v10, v6  }
0x91: {  	v9 =	vand.u32 $0xFFFFFF80, v14;
	v7 =	vadd.s32 v10, v7;
	v6 =	vor.u32 v8, v6;
	v21 =	vld.idx.msk [tilespmem:v12+s23+$0x0], $0xffff  }
0x92: {  	v9 =	vadd.s32 v10, v9;
	v7 =	vor.u32 v11, v7;
	v8 =	vand.u32 $0x7F, v14;
	v14 =	vld.idx.msk [tilespmem:v18+s23+$0x0], $0xffff  }
0x93: {  	v20 =	vld.idx.msk [tilespmem:v15+s23+$0x0], $0xffff;
	v8 =	vor.u32 v8, v9  }
0x94: {  	v23 =	vld.idx.msk [tilespmem:v4+s23+$0x0], $0xffff  }
0x95: {  	v24 =	vld.idx.msk [tilespmem:v3+s23+$0x0], $0xffff  }
0x96: {  	v11 =	vld.idx.msk [tilespmem:v6+s23+$0x0], $0xffff;
	v19 =	vadd.f32 v21, v19  }
0x97: {  	v10 =	vld.idx.msk [tilespmem:v7+s23+$0x0], $0xffff;
	v14 =	vadd.f32 v14, v17  }
0x98: {  	v9 =	vld.idx.msk [tilespmem:v8+s23+$0x0], $0xffff;
	v63 =	vadd.f32 v20, v13;
	[tilespmem:v12+s23+$0x0] =	vst.idx.msk $0xffff, v19  }
0x99: {  	v13 =	vadd.f32 v23, v22;
	[tilespmem:v18+s23+$0x0] =	vst.idx.msk $0xffff, v14  }
0x9a: {  	s4 =	simm.s32 $0x90;
	v12 =	vadd.f32 v24, v16;
	[tilespmem:v15+s23+$0x0] =	vst.idx.msk $0xffff, v63  }
.LBB2_4:
0x9b: {  	p0 =	sne.s32 s4, $0xF0;
	v2 =	vadd.f32 v11, v2;
	[tilespmem:v4+s23+$0x0] =	vst.idx.msk $0xffff, v13;
	s3 =	sadd.s32 $0x10, s3;
	s31 =	sadd.s32 $0x10, s31  }
0x9c: {  	v1 =	vadd.f32 v10, v1;
	s5 =	smov.u32 s4;
	s4 =	sadd.s32 $0x10, s4;
	[tilespmem:v3+s23+$0x0] =	vst.idx.msk $0xffff, v12  }
0x9d: {  	v3 =	vadd.f32 v9, v5;
	[tilespmem:v6+s23+$0x0] =	vst.idx.msk $0xffff, v2  }
0x9e: {  	[tilespmem:v7+s23+$0x0] =	vst.idx.msk $0xffff, v1  }
0x9f: {  	[tilespmem:v8+s23+$0x0] =	vst.idx.msk $0xffff, v3  }
0xa0: {  	v2 =	vld [tilespmem:s31+$0xFFFFFC80]  }
0xa1: {  	v3 =	vld [tilespmem:s31+$0xFFFFFD00]  }
0xa2: {  	v4 =	vld [tilespmem:s31+$0xFFFFFD80]  }
0xa3: {  	v1 =	vmov s5;
	v5 =	vld [tilespmem:s31+$0xFFFFFE00]  }
0xa4: {  	v1 =	vshll.u32 v1, $0x7;
	v6 =	vld [tilespmem:s31+$0xFFFFFF80]  }
0xa5: {  	v7 =	vor.u32 v0, v1;
	v8 =	vld [tilespmem:s31+$0xFFFFFE80]  }
0xa6: {  	v1 =	vand.u32 $0xFFFFFF80, v2;
	v9 =	vand.u32 $0xFFFFFF80, v3;
	v10 =	vld [tilespmem:s31+$0xFFFFFF00]  }
0xa7: {  	v11 =	vadd.s32 v7, v1;
	v9 =	vadd.s32 v7, v9;
	v12 =	vand.u32 $0xFFFFFF80, v4;
	v1 =	vld [tilespmem:s3+$0xFFFFFF80]  }
0xa8: {  	v13 =	vand.u32 $0x7F, v2;
	v4 =	vand.u32 $0x7F, v4;
	v12 =	vadd.s32 v7, v12;
	v2 =	vld [tilespmem:s3+$0xFFFFFF00]  }
0xa9: {  	v3 =	vand.u32 $0x7F, v3;
	v13 =	vor.u32 v13, v11;
	v14 =	vor.u32 v4, v12;
	v11 =	vld [tilespmem:s31+$0x0]  }
0xaa: {  	v4 =	vand.u32 $0xFFFFFF80, v5;
	v5 =	vand.u32 $0x7F, v5;
	v12 =	vld [tilespmem:s3+$0xFFFFFE80];
	v15 =	vand.u32 $0xFFFFFF80, v8  }
0xab: {  	v17 =	vand.u32 $0x7F, v6;
	v4 =	vadd.s32 v7, v4;
	v16 =	vld [tilespmem:s3+$0xFFFFFD80];
	v15 =	vadd.s32 v7, v15  }
0xac: {  	v19 =	vor.u32 v3, v9;
	v3 =	vand.u32 $0x7F, v8;
	v4 =	vor.u32 v5, v4;
	v18 =	vld [tilespmem:s3+$0xFFFFFD00]  }
0xad: {  	v5 =	vand.u32 $0xFFFFFF80, v10;
	v8 =	vand.u32 $0x7F, v10;
	v3 =	vor.u32 v3, v15;
	v9 =	vld [tilespmem:s3+$0xFFFFFC80]  }
0xae: {  	v6 =	vand.u32 $0xFFFFFF80, v6;
	v10 =	vadd.s32 v7, v5;
	v5 =	vld [tilespmem:s3+$0x0];
	v15 =	vand.u32 $0xFFFFFF80, v11  }
0xaf: {  	v21 =	vadd.s32 v7, v6;
	v11 =	vand.u32 $0x7F, v11;
	v20 =	vld.idx.msk [tilespmem:v14+s23+$0x0], $0xffff;
	v15 =	vadd.s32 v7, v15  }
0xb0: {  	v6 =	vor.u32 v8, v10;
	v7 =	vor.u32 v17, v21;
	v22 =	vld.idx.msk [tilespmem:v13+s23+$0x0], $0xffff;
	v8 =	vor.u32 v11, v15  }
0xb1: {  	v15 =	vld.idx.msk [tilespmem:v19+s23+$0x0], $0xffff  }
0xb2: {  	v17 =	vld [tilespmem:s3+$0xFFFFFE00]  }
0xb3: {  	v21 =	vld.idx.msk [tilespmem:v4+s23+$0x0], $0xffff  }
0xb4: {  	v23 =	vld.idx.msk [tilespmem:v3+s23+$0x0], $0xffff  }
0xb5: {  	v16 =	vadd.f32 v20, v16;
	v11 =	vld.idx.msk [tilespmem:v6+s23+$0x0], $0xffff  }
.Ltmp1:
0xb6: {  	v20 =	vadd.f32 v22, v9;
	v10 =	vld.idx.msk [tilespmem:v7+s23+$0x0], $0xffff;
	(pc) =	sbr.rel @p0 .LBB2_4-.Ltmp1, $4  }
0xb7: {  	v15 =	vadd.f32 v15, v18;
	v9 =	vld.idx.msk [tilespmem:v8+s23+$0x0], $0xffff  }
0xb8: {  	[tilespmem:v13+s23+$0x0] =	vst.idx.msk $0xffff, v20  }
0xb9: {  	v13 =	vadd.f32 v21, v17;
	[tilespmem:v19+s23+$0x0] =	vst.idx.msk $0xffff, v15  }
0xba: {  	v12 =	vadd.f32 v23, v12;
	[tilespmem:v14+s23+$0x0] =	vst.idx.msk $0xffff, v16  }
0xbb: {  	_ =	sdelay $0x3  }
0xbc: {  	v2 =	vadd.f32 v11, v2;
	[tilespmem:v4+s23+$0x0] =	vst.idx.msk $0xffff, v13  }
0xbd: {  	v1 =	vadd.f32 v10, v1;
	[tilespmem:v3+s23+$0x0] =	vst.idx.msk $0xffff, v12  }
0xbe: {  	v3 =	vadd.f32 v9, v5;
	[tilespmem:v6+s23+$0x0] =	vst.idx.msk $0xffff, v2  }
0xbf: {  	[tilespmem:v7+s23+$0x0] =	vst.idx.msk $0xffff, v1  }
0xc0: {  	[tilespmem:v8+s23+$0x0] =	vst.idx.msk $0xffff, v3  }
0xc1: {  	[hbm4b:s16+s2] =	stream.linear.scatter [tilespmem:s25], [sflag:$0x5], $0x4000, $0x38;
	[tilespmem:$0x12000] =	vst v63  }
0xc2: {  	_ =	swait.ge [sflag:s24], $0x400  }
0xc3: {  	[sflag:s24] =	ssyncset.done $0x0  }
0xc4: {  	[sflag:s24] =	ssyncadd.s32 $0xFFFFFC00  }
0xc5: {  	_ =	swait.ge [sflag:s24], $0x400  }
0xc6: {  	[sflag:s24] =	ssyncset.done $0x0  }
0xc7: {  	[sflag:s24] =	ssyncadd.s32 $0xFFFFFC00  }
0xc8: {  	_ =	swait.ge [sflag:s24], $0x4000  }
0xc9: {  	[sflag:s24] =	ssyncset.done $0x0  }
0xca: {  	s31 =	simm.s32 $0xB80;
	[sflag:s24] =	ssyncadd.s32 $0xFFFFC000  }
0xcb: {  	v3 =	vld [tilespmem:s31+$0xFFFFFC80]  }
0xcc: {  	v4 =	vld [tilespmem:s31+$0xFFFFFD00]  }
0xcd: {  	v5 =	vld [tilespmem:s31+$0xFFFFFD80]  }
0xce: {  	v6 =	vld [tilespmem:s31+$0xFFFFFE00]  }
0xcf: {  	s3 =	simm.s32 $0x100;
	v7 =	vld [tilespmem:s31+$0xFFFFFF80]  }
0xd0: {  	v1 =	vmov s3;
	v8 =	vld [tilespmem:s31+$0xFFFFFE80]  }
0xd1: {  	s3 =	simm.s32 $0x1B80;
	v1 =	vshll.u32 v1, $0x7;
	v9 =	vld [tilespmem:s31+$0xFFFFFF00]  }
0xd2: {  	v10 =	vor.u32 v0, v1;
	v1 =	vld [tilespmem:s3+$0xFFFFFF80];
	v2 =	vand.u32 $0xFFFFFF80, v3  }
0xd3: {  	v14 =	vld [tilespmem:s31+$0x0];
	v11 =	vand.u32 $0xFFFFFF80, v4;
	v13 =	vand.u32 $0xFFFFFF80, v5;
	v3 =	vand.u32 $0x7F, v3  }
0xd4: {  	v16 =	vld [tilespmem:s3+$0xFFFFFE80];
	v5 =	vand.u32 $0x7F, v5;
	v12 =	vadd.s32 v10, v2;
	v13 =	vadd.s32 v10, v13  }
0xd5: {  	v17 =	vld [tilespmem:s3+$0xFFFFFD00];
	v11 =	vadd.s32 v10, v11;
	v12 =	vor.u32 v3, v12;
	v15 =	vor.u32 v5, v13  }
0xd6: {  	v19 =	vld [tilespmem:s3+$0xFFFFFC80];
	v3 =	vand.u32 $0x7F, v4;
	v4 =	vand.u32 $0xFFFFFF80, v6;
	v5 =	vand.u32 $0x7F, v6  }
0xd7: {  	v22 =	vld [tilespmem:s3+$0xFFFFFE00];
	v6 =	vand.u32 $0xFFFFFF80, v8;
	v4 =	vadd.s32 v10, v4;
	v18 =	vor.u32 v3, v11  }
0xd8: {  	v2 =	vld [tilespmem:s3+$0xFFFFFF00];
	v3 =	vadd.s32 v10, v6;
	v11 =	vand.u32 $0x7F, v7;
	v6 =	vand.u32 $0x7F, v8  }
0xd9: {  	v13 =	vld [tilespmem:s3+$0xFFFFFD80];
	v4 =	vor.u32 v5, v4;
	v3 =	vor.u32 v6, v3;
	v6 =	vand.u32 $0xFFFFFF80, v9  }
0xda: {  	v8 =	vand.u32 $0x7F, v9;
	v7 =	vand.u32 $0xFFFFFF80, v7;
	v5 =	vld [tilespmem:s3+$0x0];
	v6 =	vadd.s32 v10, v6  }
0xdb: {  	v9 =	vand.u32 $0xFFFFFF80, v14;
	v7 =	vadd.s32 v10, v7;
	v6 =	vor.u32 v8, v6;
	v21 =	vld.idx.msk [tilespmem:v12+s23+$0x0], $0xffff  }
0xdc: {  	v9 =	vadd.s32 v10, v9;
	v7 =	vor.u32 v11, v7;
	v8 =	vand.u32 $0x7F, v14;
	v14 =	vld.idx.msk [tilespmem:v18+s23+$0x0], $0xffff  }
0xdd: {  	v20 =	vld.idx.msk [tilespmem:v15+s23+$0x0], $0xffff;
	v8 =	vor.u32 v8, v9  }
0xde: {  	v23 =	vld.idx.msk [tilespmem:v4+s23+$0x0], $0xffff  }
0xdf: {  	v24 =	vld.idx.msk [tilespmem:v3+s23+$0x0], $0xffff  }
0xe0: {  	v11 =	vld.idx.msk [tilespmem:v6+s23+$0x0], $0xffff;
	v19 =	vadd.f32 v21, v19  }
0xe1: {  	v10 =	vld.idx.msk [tilespmem:v7+s23+$0x0], $0xffff;
	v14 =	vadd.f32 v14, v17  }
0xe2: {  	v9 =	vld.idx.msk [tilespmem:v8+s23+$0x0], $0xffff;
	v63 =	vadd.f32 v20, v13;
	[tilespmem:v12+s23+$0x0] =	vst.idx.msk $0xffff, v19  }
0xe3: {  	v13 =	vadd.f32 v23, v22;
	[tilespmem:v18+s23+$0x0] =	vst.idx.msk $0xffff, v14  }
0xe4: {  	s4 =	simm.s32 $0x110;
	v12 =	vadd.f32 v24, v16;
	[tilespmem:v15+s23+$0x0] =	vst.idx.msk $0xffff, v63  }
.LBB2_6:
0xe5: {  	p0 =	sne.s32 s4, $0x170;
	v2 =	vadd.f32 v11, v2;
	[tilespmem:v4+s23+$0x0] =	vst.idx.msk $0xffff, v13;
	s3 =	sadd.s32 $0x10, s3;
	s31 =	sadd.s32 $0x10, s31  }
0xe6: {  	v1 =	vadd.f32 v10, v1;
	s5 =	smov.u32 s4;
	s4 =	sadd.s32 $0x10, s4;
	[tilespmem:v3+s23+$0x0] =	vst.idx.msk $0xffff, v12  }
0xe7: {  	v3 =	vadd.f32 v9, v5;
	[tilespmem:v6+s23+$0x0] =	vst.idx.msk $0xffff, v2  }
0xe8: {  	[tilespmem:v7+s23+$0x0] =	vst.idx.msk $0xffff, v1  }
0xe9: {  	[tilespmem:v8+s23+$0x0] =	vst.idx.msk $0xffff, v3  }
0xea: {  	v2 =	vld [tilespmem:s31+$0xFFFFFC80]  }
0xeb: {  	v3 =	vld [tilespmem:s31+$0xFFFFFD00]  }
0xec: {  	v4 =	vld [tilespmem:s31+$0xFFFFFD80]  }
0xed: {  	v1 =	vmov s5;
	v5 =	vld [tilespmem:s31+$0xFFFFFE00]  }
0xee: {  	v1 =	vshll.u32 v1, $0x7;
	v6 =	vld [tilespmem:s31+$0xFFFFFF80]  }
0xef: {  	v7 =	vor.u32 v0, v1;
	v8 =	vld [tilespmem:s31+$0xFFFFFE80]  }
0xf0: {  	v1 =	vand.u32 $0xFFFFFF80, v2;
	v9 =	vand.u32 $0xFFFFFF80, v3;
	v10 =	vld [tilespmem:s31+$0xFFFFFF00]  }
0xf1: {  	v11 =	vadd.s32 v7, v1;
	v9 =	vadd.s32 v7, v9;
	v12 =	vand.u32 $0xFFFFFF80, v4;
	v1 =	vld [tilespmem:s3+$0xFFFFFF80]  }
0xf2: {  	v13 =	vand.u32 $0x7F, v2;
	v4 =	vand.u32 $0x7F, v4;
	v12 =	vadd.s32 v7, v12;
	v2 =	vld [tilespmem:s3+$0xFFFFFF00]  }
0xf3: {  	v3 =	vand.u32 $0x7F, v3;
	v13 =	vor.u32 v13, v11;
	v14 =	vor.u32 v4, v12;
	v11 =	vld [tilespmem:s31+$0x0]  }
0xf4: {  	v4 =	vand.u32 $0xFFFFFF80, v5;
	v5 =	vand.u32 $0x7F, v5;
	v12 =	vld [tilespmem:s3+$0xFFFFFE80];
	v15 =	vand.u32 $0xFFFFFF80, v8  }
0xf5: {  	v17 =	vand.u32 $0x7F, v6;
	v4 =	vadd.s32 v7, v4;
	v16 =	vld [tilespmem:s3+$0xFFFFFD80];
	v15 =	vadd.s32 v7, v15  }
0xf6: {  	v19 =	vor.u32 v3, v9;
	v3 =	vand.u32 $0x7F, v8;
	v4 =	vor.u32 v5, v4;
	v18 =	vld [tilespmem:s3+$0xFFFFFD00]  }
0xf7: {  	v5 =	vand.u32 $0xFFFFFF80, v10;
	v8 =	vand.u32 $0x7F, v10;
	v3 =	vor.u32 v3, v15;
	v9 =	vld [tilespmem:s3+$0xFFFFFC80]  }
0xf8: {  	v6 =	vand.u32 $0xFFFFFF80, v6;
	v10 =	vadd.s32 v7, v5;
	v5 =	vld [tilespmem:s3+$0x0];
	v15 =	vand.u32 $0xFFFFFF80, v11  }
0xf9: {  	v21 =	vadd.s32 v7, v6;
	v11 =	vand.u32 $0x7F, v11;
	v20 =	vld.idx.msk [tilespmem:v14+s23+$0x0], $0xffff;
	v15 =	vadd.s32 v7, v15  }
0xfa: {  	v6 =	vor.u32 v8, v10;
	v7 =	vor.u32 v17, v21;
	v22 =	vld.idx.msk [tilespmem:v13+s23+$0x0], $0xffff;
	v8 =	vor.u32 v11, v15  }
0xfb: {  	v15 =	vld.idx.msk [tilespmem:v19+s23+$0x0], $0xffff  }
0xfc: {  	v17 =	vld [tilespmem:s3+$0xFFFFFE00]  }
0xfd: {  	v21 =	vld.idx.msk [tilespmem:v4+s23+$0x0], $0xffff  }
0xfe: {  	v23 =	vld.idx.msk [tilespmem:v3+s23+$0x0], $0xffff  }
0xff: {  	v16 =	vadd.f32 v20, v16;
	v11 =	vld.idx.msk [tilespmem:v6+s23+$0x0], $0xffff  }
.Ltmp2:
0x100: {  	v20 =	vadd.f32 v22, v9;
	v10 =	vld.idx.msk [tilespmem:v7+s23+$0x0], $0xffff;
	(pc) =	sbr.rel @p0 .LBB2_6-.Ltmp2, $4  }
0x101: {  	v15 =	vadd.f32 v15, v18;
	v9 =	vld.idx.msk [tilespmem:v8+s23+$0x0], $0xffff  }
0x102: {  	[tilespmem:v13+s23+$0x0] =	vst.idx.msk $0xffff, v20  }
0x103: {  	v13 =	vadd.f32 v21, v17;
	[tilespmem:v19+s23+$0x0] =	vst.idx.msk $0xffff, v15  }
0x104: {  	v12 =	vadd.f32 v23, v12;
	[tilespmem:v14+s23+$0x0] =	vst.idx.msk $0xffff, v16  }
0x105: {  	_ =	sdelay $0x3  }
0x106: {  	v2 =	vadd.f32 v11, v2;
	[tilespmem:v4+s23+$0x0] =	vst.idx.msk $0xffff, v13  }
0x107: {  	v1 =	vadd.f32 v10, v1;
	[tilespmem:v3+s23+$0x0] =	vst.idx.msk $0xffff, v12  }
0x108: {  	v3 =	vadd.f32 v9, v5;
	[tilespmem:v6+s23+$0x0] =	vst.idx.msk $0xffff, v2  }
0x109: {  	[tilespmem:v7+s23+$0x0] =	vst.idx.msk $0xffff, v1  }
0x10a: {  	[tilespmem:v8+s23+$0x0] =	vst.idx.msk $0xffff, v3  }
0x10b: {  	[hbm4b:s17+s2] =	stream.linear.scatter [tilespmem:s29], [sflag:$0x5], $0x4000, $0x38;
	[tilespmem:$0x12000] =	vst v63  }
0x10c: {  	_ =	swait.ge [sflag:s26], $0x400  }
0x10d: {  	[sflag:s26] =	ssyncset.done $0x0  }
0x10e: {  	[sflag:s26] =	ssyncadd.s32 $0xFFFFFC00  }
0x10f: {  	_ =	swait.ge [sflag:s26], $0x400  }
0x110: {  	[sflag:s26] =	ssyncset.done $0x0  }
0x111: {  	[sflag:s26] =	ssyncadd.s32 $0xFFFFFC00  }
0x112: {  	_ =	swait.ge [sflag:s26], $0x4000  }
0x113: {  	[sflag:s26] =	ssyncset.done $0x0  }
0x114: {  	s31 =	simm.s32 $0xF80;
	[sflag:s26] =	ssyncadd.s32 $0xFFFFC000  }
0x115: {  	v3 =	vld [tilespmem:s31+$0xFFFFFC80]  }
0x116: {  	v4 =	vld [tilespmem:s31+$0xFFFFFD00]  }
0x117: {  	v5 =	vld [tilespmem:s31+$0xFFFFFD80]  }
0x118: {  	v6 =	vld [tilespmem:s31+$0xFFFFFE00]  }
0x119: {  	s3 =	simm.s32 $0x180;
	v7 =	vld [tilespmem:s31+$0xFFFFFF80]  }
0x11a: {  	v1 =	vmov s3;
	v8 =	vld [tilespmem:s31+$0xFFFFFE80]  }
0x11b: {  	s3 =	simm.s32 $0x1F80;
	v1 =	vshll.u32 v1, $0x7;
	v9 =	vld [tilespmem:s31+$0xFFFFFF00]  }
0x11c: {  	v10 =	vor.u32 v0, v1;
	v1 =	vld [tilespmem:s3+$0xFFFFFF80];
	v2 =	vand.u32 $0xFFFFFF80, v3  }
0x11d: {  	v14 =	vld [tilespmem:s31+$0x0];
	v11 =	vand.u32 $0xFFFFFF80, v4;
	v13 =	vand.u32 $0xFFFFFF80, v5;
	v3 =	vand.u32 $0x7F, v3  }
0x11e: {  	v16 =	vld [tilespmem:s3+$0xFFFFFE80];
	v5 =	vand.u32 $0x7F, v5;
	v12 =	vadd.s32 v10, v2;
	v13 =	vadd.s32 v10, v13  }
0x11f: {  	v17 =	vld [tilespmem:s3+$0xFFFFFD00];
	v11 =	vadd.s32 v10, v11;
	v12 =	vor.u32 v3, v12;
	v15 =	vor.u32 v5, v13  }
0x120: {  	v19 =	vld [tilespmem:s3+$0xFFFFFC80];
	v3 =	vand.u32 $0x7F, v4;
	v4 =	vand.u32 $0xFFFFFF80, v6;
	v5 =	vand.u32 $0x7F, v6  }
0x121: {  	v22 =	vld [tilespmem:s3+$0xFFFFFE00];
	v6 =	vand.u32 $0xFFFFFF80, v8;
	v4 =	vadd.s32 v10, v4;
	v18 =	vor.u32 v3, v11  }
0x122: {  	v2 =	vld [tilespmem:s3+$0xFFFFFF00];
	v3 =	vadd.s32 v10, v6;
	v11 =	vand.u32 $0x7F, v7;
	v6 =	vand.u32 $0x7F, v8  }
0x123: {  	v13 =	vld [tilespmem:s3+$0xFFFFFD80];
	v4 =	vor.u32 v5, v4;
	v3 =	vor.u32 v6, v3;
	v6 =	vand.u32 $0xFFFFFF80, v9  }
0x124: {  	v8 =	vand.u32 $0x7F, v9;
	v7 =	vand.u32 $0xFFFFFF80, v7;
	v5 =	vld [tilespmem:s3+$0x0];
	v6 =	vadd.s32 v10, v6  }
0x125: {  	v9 =	vand.u32 $0xFFFFFF80, v14;
	v7 =	vadd.s32 v10, v7;
	v6 =	vor.u32 v8, v6;
	v21 =	vld.idx.msk [tilespmem:v12+s23+$0x0], $0xffff  }
0x126: {  	v9 =	vadd.s32 v10, v9;
	v7 =	vor.u32 v11, v7;
	v8 =	vand.u32 $0x7F, v14;
	v14 =	vld.idx.msk [tilespmem:v18+s23+$0x0], $0xffff  }
0x127: {  	v20 =	vld.idx.msk [tilespmem:v15+s23+$0x0], $0xffff;
	v8 =	vor.u32 v8, v9  }
0x128: {  	v23 =	vld.idx.msk [tilespmem:v4+s23+$0x0], $0xffff  }
0x129: {  	v24 =	vld.idx.msk [tilespmem:v3+s23+$0x0], $0xffff  }
0x12a: {  	v11 =	vld.idx.msk [tilespmem:v6+s23+$0x0], $0xffff;
	v19 =	vadd.f32 v21, v19  }
0x12b: {  	v10 =	vld.idx.msk [tilespmem:v7+s23+$0x0], $0xffff;
	v14 =	vadd.f32 v14, v17  }
0x12c: {  	v9 =	vld.idx.msk [tilespmem:v8+s23+$0x0], $0xffff;
	v63 =	vadd.f32 v20, v13;
	[tilespmem:v12+s23+$0x0] =	vst.idx.msk $0xffff, v19  }
0x12d: {  	v13 =	vadd.f32 v23, v22;
	[tilespmem:v18+s23+$0x0] =	vst.idx.msk $0xffff, v14  }
0x12e: {  	s4 =	simm.s32 $0x190;
	v12 =	vadd.f32 v24, v16;
	[tilespmem:v15+s23+$0x0] =	vst.idx.msk $0xffff, v63  }
.LBB2_8:
0x12f: {  	p0 =	sne.s32 s4, $0x1F0;
	v2 =	vadd.f32 v11, v2;
	[tilespmem:v4+s23+$0x0] =	vst.idx.msk $0xffff, v13;
	s3 =	sadd.s32 $0x10, s3;
	s31 =	sadd.s32 $0x10, s31  }
0x130: {  	v1 =	vadd.f32 v10, v1;
	s5 =	smov.u32 s4;
	s4 =	sadd.s32 $0x10, s4;
	[tilespmem:v3+s23+$0x0] =	vst.idx.msk $0xffff, v12  }
0x131: {  	v3 =	vadd.f32 v9, v5;
	[tilespmem:v6+s23+$0x0] =	vst.idx.msk $0xffff, v2  }
0x132: {  	[tilespmem:v7+s23+$0x0] =	vst.idx.msk $0xffff, v1  }
0x133: {  	[tilespmem:v8+s23+$0x0] =	vst.idx.msk $0xffff, v3  }
0x134: {  	v2 =	vld [tilespmem:s31+$0xFFFFFC80]  }
0x135: {  	v3 =	vld [tilespmem:s31+$0xFFFFFD00]  }
0x136: {  	v4 =	vld [tilespmem:s31+$0xFFFFFD80]  }
0x137: {  	v1 =	vmov s5;
	v5 =	vld [tilespmem:s31+$0xFFFFFE00]  }
0x138: {  	v1 =	vshll.u32 v1, $0x7;
	v6 =	vld [tilespmem:s31+$0xFFFFFF80]  }
0x139: {  	v7 =	vor.u32 v0, v1;
	v8 =	vld [tilespmem:s31+$0xFFFFFE80]  }
0x13a: {  	v1 =	vand.u32 $0xFFFFFF80, v2;
	v9 =	vand.u32 $0xFFFFFF80, v3;
	v10 =	vld [tilespmem:s31+$0xFFFFFF00]  }
0x13b: {  	v11 =	vadd.s32 v7, v1;
	v9 =	vadd.s32 v7, v9;
	v12 =	vand.u32 $0xFFFFFF80, v4;
	v1 =	vld [tilespmem:s3+$0xFFFFFF80]  }
0x13c: {  	v13 =	vand.u32 $0x7F, v2;
	v4 =	vand.u32 $0x7F, v4;
	v12 =	vadd.s32 v7, v12;
	v2 =	vld [tilespmem:s3+$0xFFFFFF00]  }
0x13d: {  	v3 =	vand.u32 $0x7F, v3;
	v13 =	vor.u32 v13, v11;
	v14 =	vor.u32 v4, v12;
	v11 =	vld [tilespmem:s31+$0x0]  }
0x13e: {  	v4 =	vand.u32 $0xFFFFFF80, v5;
	v5 =	vand.u32 $0x7F, v5;
	v12 =	vld [tilespmem:s3+$0xFFFFFE80];
	v15 =	vand.u32 $0xFFFFFF80, v8  }
0x13f: {  	v17 =	vand.u32 $0x7F, v6;
	v4 =	vadd.s32 v7, v4;
	v16 =	vld [tilespmem:s3+$0xFFFFFD80];
	v15 =	vadd.s32 v7, v15  }
0x140: {  	v19 =	vor.u32 v3, v9;
	v3 =	vand.u32 $0x7F, v8;
	v4 =	vor.u32 v5, v4;
	v18 =	vld [tilespmem:s3+$0xFFFFFD00]  }
0x141: {  	v5 =	vand.u32 $0xFFFFFF80, v10;
	v8 =	vand.u32 $0x7F, v10;
	v3 =	vor.u32 v3, v15;
	v9 =	vld [tilespmem:s3+$0xFFFFFC80]  }
0x142: {  	v6 =	vand.u32 $0xFFFFFF80, v6;
	v10 =	vadd.s32 v7, v5;
	v5 =	vld [tilespmem:s3+$0x0];
	v15 =	vand.u32 $0xFFFFFF80, v11  }
0x143: {  	v21 =	vadd.s32 v7, v6;
	v11 =	vand.u32 $0x7F, v11;
	v20 =	vld.idx.msk [tilespmem:v14+s23+$0x0], $0xffff;
	v15 =	vadd.s32 v7, v15  }
0x144: {  	v6 =	vor.u32 v8, v10;
	v7 =	vor.u32 v17, v21;
	v22 =	vld.idx.msk [tilespmem:v13+s23+$0x0], $0xffff;
	v8 =	vor.u32 v11, v15  }
0x145: {  	v15 =	vld.idx.msk [tilespmem:v19+s23+$0x0], $0xffff  }
0x146: {  	v17 =	vld [tilespmem:s3+$0xFFFFFE00]  }
0x147: {  	v21 =	vld.idx.msk [tilespmem:v4+s23+$0x0], $0xffff  }
0x148: {  	v23 =	vld.idx.msk [tilespmem:v3+s23+$0x0], $0xffff  }
0x149: {  	v16 =	vadd.f32 v20, v16;
	v11 =	vld.idx.msk [tilespmem:v6+s23+$0x0], $0xffff  }
.Ltmp3:
0x14a: {  	v20 =	vadd.f32 v22, v9;
	v10 =	vld.idx.msk [tilespmem:v7+s23+$0x0], $0xffff;
	(pc) =	sbr.rel @p0 .LBB2_8-.Ltmp3, $4  }
0x14b: {  	v15 =	vadd.f32 v15, v18;
	v9 =	vld.idx.msk [tilespmem:v8+s23+$0x0], $0xffff  }
0x14c: {  	[tilespmem:v13+s23+$0x0] =	vst.idx.msk $0xffff, v20  }
0x14d: {  	v13 =	vadd.f32 v21, v17;
	[tilespmem:v19+s23+$0x0] =	vst.idx.msk $0xffff, v15  }
0x14e: {  	v12 =	vadd.f32 v23, v12;
	[tilespmem:v14+s23+$0x0] =	vst.idx.msk $0xffff, v16  }
0x14f: {  	_ =	sdelay $0x3  }
0x150: {  	v2 =	vadd.f32 v11, v2;
	[tilespmem:v4+s23+$0x0] =	vst.idx.msk $0xffff, v13  }
0x151: {  	v1 =	vadd.f32 v10, v1;
	[tilespmem:v3+s23+$0x0] =	vst.idx.msk $0xffff, v12  }
0x152: {  	v3 =	vadd.f32 v9, v5;
	[tilespmem:v6+s23+$0x0] =	vst.idx.msk $0xffff, v2  }
0x153: {  	[tilespmem:v7+s23+$0x0] =	vst.idx.msk $0xffff, v1  }
0x154: {  	[tilespmem:v8+s23+$0x0] =	vst.idx.msk $0xffff, v3  }
0x155: {  	[hbm4b:s18+s2] =	stream.linear.scatter [tilespmem:s0], [sflag:$0x5], $0x4000, $0x38;
	[tilespmem:$0x12000] =	vst v63  }
0x156: {  	_ =	swait.ge [sflag:s28], $0x4000  }
0x157: {  	[sflag:s28] =	ssyncset.done $0x0  }
0x158: {  	[sflag:s28] =	ssyncadd.s32 $0xFFFFC000  }
0x159: {  	_ =	swait.ge [sflag:s28], $0x4000  }
0x15a: {  	[sflag:s28] =	ssyncset.done $0x0  }
0x15b: {  	s30 =	sadd.s32 $0x1, s30;
	[sflag:s28] =	ssyncadd.s32 $0xFFFFC000  }
0x15c: {  	p0 =	sne.s32 s30, s19;
	_ =	swait.ge [sflag:s28], $0x4000  }
.Ltmp4:
0x15d: {  	[sflag:s28] =	ssyncset.done $0x0;
	(pc) =	sbr.rel @p0 .LBB2_1-.Ltmp4, $4  }
0x15e: {  	[sflag:s28] =	ssyncadd.s32 $0xFFFFC000  }
0x15f: {  	_ =	swait.ge [sflag:s28], $0x4000  }
0x160: {  	[sflag:s28] =	ssyncset.done $0x0  }
0x161: {  	[sflag:s28] =	ssyncadd.s32 $0xFFFFC000  }
0x162: {  	_ =	sfence.sel $0x180000  }
0x163: {  	[bflag:$0x0] =	sbarrier.arrive $0xFFFF  }
0x164: {  	_ =	strace $0x90000047  }
0x165: {  	s0 =	stileid.u32;
	[bflag:$0x2] =	sbarrier.arrive $0xFFFF  }
0x166: {  	p0 =	sne.s32 s0, $0x0;
	s0 =	rddreg [dreg:$0x3]  }
0x167: {  	s0 =	sadd.s32 @!p0 $0x100000, s0  }
0x168: {  	[sflag:s0] =	ssyncadd.tile.s32 @!p0 $0x1;
	_ =	shalt  }
.Lfunc_end2:
_tile_overlayer_lowered:
.L_overlay_start_2:
0x169: {  	(tag) =	ssettag $0x2  }
0x16a: {  	s0 =	rddreg [dreg:$0x0];
	s2 =	stileid.u32  }
0x16b: {  	s1 =	rddreg [dreg:$0x1];
	p0 =	sne.s32 s2, $0x0  }
0x16c: {  	s3 =	rddreg [dreg:$0x2];
	[bflag:$0x3] =	sbarrier.arrive $0xFFFF;
	s2 =	simm.s32 @!p0 $0x1C06  }
0x16d: {  	[timem:s3], [sflag:s2] =	dma.local @!p0 [hbm:s0], s1  }
0x16e: {  	s0 =	simm.s32 @!p0 $0x6  }
0x16f: {  	_ =	swait.ge @!p0 [sflag:s0], s1  }
0x170: {  	s1 =	ssub.s32 @!p0 $0x0, s1;
	[sflag:s0] =	ssyncset.done @!p0 $0x0  }
0x171: {  	[sflag:s0] =	ssyncadd.s32 @!p0 s1  }
0x172: {  	[bflag:$0x3] =	sbarrier.arrive $0xFFFF  }
0x173: {  	_ =	shalt  }

</sc_bundles>
